<compile_context>
chip_gen: v7x
topology: tpu7x:2x2x1
jax: 0.10.2.dev20260603
libtpu: 0.0.44.dev20260713+nightly
codegen_flags: <defaults>
</compile_context>

<pallas_src>
import functools

import jax
import jax.numpy as jnp
from jax import lax
from jax.experimental import pallas as pl
from jax.experimental.pallas import tpu as pltpu
from jax.experimental.pallas import tpu_sc as plsc

N = 10000
D = 128
NB = D // 16
NW = 32
NPW = 320
NPAD = NW * NPW
CH = 256
PTR_PAD = 24
PTR_LEN = NW * NPW + PTR_PAD
EP = 160000 + N + 7 * N
MAXCH = EP // CH + 2
JW = ((MAXCH + 16 + 7) // 8) * 8
NEG = jnp.float32(-3.0e38)


@functools.cache
def _make_segmax():
    mesh = plsc.VectorSubcoreMesh(core_axis_name="c", subcore_axis_name="s")
    return functools.partial(
        pl.kernel,
        mesh=mesh,
        out_type=jax.ShapeDtypeStruct((NPAD, D), jnp.float32),
        scratch_types=[
            pltpu.VMEM((NPW + PTR_PAD,), jnp.int32),
            pltpu.VMEM((JW,), jnp.int32),
            pltpu.VMEM((CH,), jnp.int32),
            pltpu.VMEM((CH,), jnp.int32),
            pltpu.VMEM((CH, D), jnp.float32),
            pltpu.VMEM((CH, D), jnp.float32),
            pltpu.VMEM((NPW, D), jnp.float32),
            pltpu.SemaphoreType.DMA,
            pltpu.SemaphoreType.DMA,
            pltpu.SemaphoreType.DMA,
            pltpu.SemaphoreType.DMA,
        ],
    )(_segmax_body)


def _pload(ref, i):
    return ref[pl.ds(i, 16)][0]


def _segmax_body(g_hbm, srcp_hbm, ptr_hbm, jend_hbm, out_hbm,
                 ptr_v, jend_v, idx_v0, idx_v1, rows_v0, rows_v1, out_v,
                 sem_i0, sem_i1, sem_g0, sem_g1):
    wid = lax.axis_index("s") * 2 + lax.axis_index("c")
    n0 = pl.multiple_of(wid * NPW, 8)
    cnt = jnp.minimum(N - n0, NPW)
    pltpu.sync_copy(ptr_hbm.at[pl.ds(n0, NPW + PTR_PAD)], ptr_v)
    pltpu.sync_copy(jend_hbm.at[wid], jend_v)
    p_start = _pload(ptr_v, 0)
    p_end = _pload(ptr_v, cnt)
    nch = (p_end - p_start + (CH - 1)) // CH
    neg = jnp.full((16,), NEG, dtype=jnp.float32)
    sem_i = (sem_i0, sem_i1)
    sem_g = (sem_g0, sem_g1)
    idx_v = (idx_v0, idx_v1)
    rows_v = (rows_v0, rows_v1)

    def chunk_lo(c):
        return pl.multiple_of(p_start + c * CH, 8)

    def fire_idx(c, b):
        pltpu.async_copy(srcp_hbm.at[pl.ds(chunk_lo(c), CH)],
                         idx_v[b], sem_i[b])

    def wait_idx(c, b):
        pltpu.make_async_copy(srcp_hbm.at[pl.ds(chunk_lo(c), CH)],
                              idx_v[b], sem_i[b]).wait()

    def fire_gather(b):
        pltpu.async_copy(g_hbm.at[idx_v[b]], rows_v[b], sem_g[b])

    def wait_gather(b):
        pltpu.make_async_copy(g_hbm.at[idx_v[b]], rows_v[b],
                              sem_g[b]).wait()

    fire_idx(0, 0)
    wait_idx(0, 0)
    fire_gather(0)

    @pl.when(nch > 1)
    def _():
        fire_idx(1, 1)

    def step(c, b, carry):
        jc = carry[0]
        acc = carry[1:]
        lo = chunk_lo(c)
        hi = jnp.minimum(lo + CH, p_end)

        @pl.when(c < nch)
        def _():
            wait_gather(b)

        @pl.when(c + 1 < nch)
        def _():
            wait_idx(c + 1, 1 - b)
            fire_gather(1 - b)

        @pl.when(c + 2 < nch)
        def _():
            fire_idx(c + 2, b)

        def edge_max(e0, e1, a):
            def edge_body(e, aa):
                k = e - lo
                return tuple(jnp.maximum(aa[f], rows_v[b][k, pl.ds(f * 16, 16)])
                             for f in range(NB))

            return lax.fori_loop(e0, jnp.maximum(e0, e1), edge_body, a)

        je = _pload(jend_v, c)

        def node_body(j, a):
            pv = ptr_v[pl.ds(j, 16)]
            a = edge_max(jnp.maximum(pv[0], lo), pv[1], a)
            for f in range(NB):
                out_v[j, pl.ds(f * 16, 16)] = a[f]
            return tuple(neg for _ in range(NB))

        acc = lax.fori_loop(jc, je, node_body, acc)
        p0 = _pload(ptr_v, je)
        acc = edge_max(jnp.maximum(p0, lo), hi, acc)
        return (je,) + acc

    def pair_body(cp, carry):
        c0 = cp * 2
        carry = step(c0, 0, carry)
        carry = step(c0 + 1, 1, carry)
        return carry

    init = (jnp.int32(0),) + tuple(neg for _ in range(NB))
    lax.fori_loop(0, (nch + 1) // 2, pair_body, init)
    pltpu.sync_copy(out_v, out_hbm.at[pl.ds(n0, NPW)])


def _tc_first_body(x_ref, w_ref, dinv_ref, o_ref):
    o_ref[...] = jnp.dot(x_ref[...], w_ref[...],
                         preferred_element_type=jnp.float32) * dinv_ref[...]


def _tc_first(xx, W, dinv2):
    return pl.pallas_call(
        _tc_first_body,
        out_shape=jax.ShapeDtypeStruct((N, W.shape[1]), jnp.float32),
    )(xx, W, dinv2)


def _tc_mid_body(m_ref, dinv_ref, b_ref, w_ref, o_ref):
    h = m_ref[...] * dinv_ref[...] + b_ref[...]
    mu = jnp.mean(h, axis=0, keepdims=True)
    v = jnp.mean((h - mu) ** 2, axis=0, keepdims=True)
    hn = (h - mu) / jnp.sqrt(v + 1e-5)
    a = jnp.where(hn >= 0, hn, 0.02 * hn)
    o_ref[...] = jnp.dot(a, w_ref[...],
                         preferred_element_type=jnp.float32) * dinv_ref[...]


def _tc_mid(m, dinv2, b, W):
    return pl.pallas_call(
        _tc_mid_body,
        out_shape=jax.ShapeDtypeStruct((N, W.shape[1]), jnp.float32),
    )(m, dinv2, b, W)


def _tc_globend_body(m_ref, dinv_ref, b_ref, o_ref):
    h = m_ref[...] * dinv_ref[...] + b_ref[...]
    o_ref[...] = jnp.mean(h, axis=0, keepdims=True)


def _tc_globend(m, dinv2, b):
    return pl.pallas_call(
        _tc_globend_body,
        out_shape=jax.ShapeDtypeStruct((1, D), jnp.float32),
    )(m, dinv2, b)


def _tc_tail0_body(mh_ref, ms_ref, grow_ref, dinv_ref, bh_ref, bs_ref,
                   wa_ref, wb_ref, wc_ref, o_ref):
    hh = mh_ref[...] * dinv_ref[...] + bh_ref[...]
    hs = ms_ref[...] * dinv_ref[...] + bs_ref[...]
    g = (jnp.dot(hh, wa_ref[...], preferred_element_type=jnp.float32)
         + jnp.dot(hs, wb_ref[...], preferred_element_type=jnp.float32)
         + jnp.dot(grow_ref[...], wc_ref[...],
                   preferred_element_type=jnp.float32))
    o_ref[...] = g * dinv_ref[...]


def _tc_tail0(mh, ms, grow, dinv2, bh, bs, wa, wb, wc):
    return pl.pallas_call(
        _tc_tail0_body,
        out_shape=jax.ShapeDtypeStruct((N, D), jnp.float32),
    )(mh, ms, grow, dinv2, bh, bs, wa, wb, wc)


def _tc_final_body(m_ref, dinv_ref, b_ref, o_ref):
    o_ref[...] = jnp.tanh(m_ref[...] * dinv_ref[...] + b_ref[...]) * 0.5


def _tc_final(m, dinv2, b):
    return pl.pallas_call(
        _tc_final_body,
        out_shape=jax.ShapeDtypeStruct((N, D), jnp.float32),
    )(m, dinv2, b)


def _build_csr(edge_index):
    src = edge_index[0].astype(jnp.int32)
    dst = edge_index[1].astype(jnp.int32)
    loop = jnp.arange(N, dtype=jnp.int32)
    src_f = jnp.concatenate([src, loop])
    dst_f = jnp.concatenate([dst, loop])
    ef = src_f.shape[0]
    order = jnp.argsort(dst_f)
    src_s = src_f[order]
    ds = dst_f[order]
    deg = jnp.zeros((N,), jnp.int32).at[dst_f].add(1)
    ptr = jnp.concatenate([jnp.zeros((1,), jnp.int32),
                           jnp.cumsum(deg, dtype=jnp.int32)])
    dinv = 1.0 / jnp.sqrt(deg.astype(jnp.float32))
    deg_pad = ((deg + 7) // 8) * 8
    ptr_pad = jnp.concatenate([jnp.zeros((1,), jnp.int32),
                               jnp.cumsum(deg_pad, dtype=jnp.int32)])
    marks = jnp.zeros((EP,), jnp.int32).at[ptr_pad[:N]].add(1)
    owner = jnp.cumsum(marks, dtype=jnp.int32) - 1
    pos = ptr_pad[ds] + jnp.arange(ef, dtype=jnp.int32) - ptr[ds]
    srcp = owner.at[pos].set(src_s)
    srcp = jnp.concatenate([srcp, jnp.zeros((2 * CH,), jnp.int32)])
    ptr_full = jnp.concatenate([
        ptr_pad,
        jnp.broadcast_to(ptr_pad[N:N + 1], (PTR_LEN - (N + 1),))])
    n0_w = jnp.arange(NW, dtype=jnp.int32) * NPW
    ps = ptr_pad[jnp.minimum(loop - (loop % NPW), N)]
    cj = (ptr_pad[1:] - 1 - ps) // CH
    w_of = loop // NPW
    hist = jnp.zeros((NW * JW,), jnp.int32).at[w_of * JW + cj].add(1)
    jend = jnp.cumsum(hist.reshape(NW, JW), axis=1, dtype=jnp.int32)
    return srcp, ptr_full, jend, dinv[:, None]


def kernel(x, edge_index, head_W0, head_b0, head_W1, head_b1, head_W2, head_b2,
           head_W3, head_b3, head_W4, head_b4, skip_W0, skip_b0,
           glob_W0, glob_b0, glob_W1, glob_b1,
           tail_W0, tail_b0, tail_W1, tail_b1):
    srcp, ptr_full, jend, dinv2 = _build_csr(edge_index)
    s = (jnp.sum(srcp).astype(jnp.float32) + jnp.sum(ptr_full).astype(jnp.float32)
         + jnp.sum(jend).astype(jnp.float32))
    return _tc_final(jnp.broadcast_to(s, (N, D)), dinv2, tail_b1[None, :])
    seg = _make_segmax()

    def agg(g):
        return seg(g, srcp, ptr_full, jend)[:N]

    m = agg(_tc_first(x, head_W0, dinv2))
    for b_prev, W in [(head_b0, head_W1), (head_b1, head_W2),
                      (head_b2, head_W3), (head_b3, head_W4)]:
        m = agg(_tc_mid(m, dinv2, b_prev[None, :], W))
    m_head = m

    m_skip = agg(_tc_first(x, skip_W0, dinv2))

    mg = agg(_tc_first(x, glob_W0, dinv2))
    mg = agg(_tc_mid(mg, dinv2, glob_b0[None, :], glob_W1))
    grow = _tc_globend(mg, dinv2, glob_b1[None, :])

    wa, wb, wc = tail_W0[0:D], tail_W0[D:2 * D], tail_W0[2 * D:3 * D]
    gt = _tc_tail0(m_head, m_skip, grow, dinv2, head_b4[None, :],
                   skip_b0[None, :], wa, wb, wc)
    mt = agg(gt)
    mt = agg(_tc_mid(mt, dinv2, tail_b0[None, :], tail_W1))
    return _tc_final(mt, dinv2, tail_b1[None, :])

# --- scband reference (transcript-rebuilt; emitter-appended) ---
"""Pipeline reference for scband-gcnnet-13099650253563 (READ-ONLY COPY).

The authoritative reference and input builder live on the scoring server;
editing this copy changes nothing except your own understanding.
"""

import jax, jax.numpy as jnp
import numpy as np

N = 10000
E = 160000
D = 128
NF = 128
OUT = 128


def _glorot(k, fin, fout):
    return jax.random.normal(k, (fin, fout), dtype=jnp.float32) * (1.0 / np.sqrt(fin))


def setup_inputs(seed: int = 0) -> dict:
    key = jax.random.key(seed)
    ks = jax.random.split(key, 24)
    inp = {}
    inp['x'] = jax.random.normal(ks[0], (N, D), dtype=jnp.float32)
    inp['edge_index'] = jax.random.randint(ks[1], (2, E), 0, N, dtype=jnp.int32)
    dims_head = [(D, NF)] + [(NF, NF)] * 4
    for i, (fi, fo) in enumerate(dims_head):
        inp['head_W%d' % i] = _glorot(ks[2 + i], fi, fo)
        inp['head_b%d' % i] = jnp.zeros((fo,), dtype=jnp.float32)
    inp['skip_W0'] = _glorot(ks[7], D, NF)
    inp['skip_b0'] = jnp.zeros((NF,), dtype=jnp.float32)
    inp['glob_W0'] = _glorot(ks[8], D, NF)
    inp['glob_b0'] = jnp.zeros((NF,), dtype=jnp.float32)
    inp['glob_W1'] = _glorot(ks[9], NF, NF)
    inp['glob_b1'] = jnp.zeros((NF,), dtype=jnp.float32)
    inp['tail_W0'] = _glorot(ks[10], 3 * NF, NF)
    inp['tail_b0'] = jnp.zeros((NF,), dtype=jnp.float32)
    inp['tail_W1'] = _glorot(ks[11], NF, OUT)
    inp['tail_b1'] = jnp.zeros((OUT,), dtype=jnp.float32)
    return inp


def _inorm(h):
    m = h.mean(axis=0, keepdims=True)
    v = h.var(axis=0, keepdims=True)
    return (h - m) / jnp.sqrt(v + 1e-5)


def _conv(h, W, b, src, dst, coeff):
    # GCNConv-style: linear transform, per-edge symmetric normalization, max aggregation (aggr='max')
    hw = h @ W
    msg = hw[src] * coeff[:, None]
    out = jax.ops.segment_max(msg, dst, num_segments=N)
    return out + b


def _stack(h, params, src, dst, coeff):
    # PyG BasicGNN: norm + act (+dropout, identity at eval) between layers; last conv raw
    L = len(params)
    for i, (W, b) in enumerate(params):
        h = _conv(h, W, b, src, dst, coeff)
        if i < L - 1:
            h = jax.nn.leaky_relu(_inorm(h), 0.02)
    return h


def _edge_norm(edge_index):
    src = edge_index[0]
    dst = edge_index[1]
    loop = jnp.arange(N, dtype=src.dtype)
    src_f = jnp.concatenate([src, loop])
    dst_f = jnp.concatenate([dst, loop])
    deg = jnp.zeros((N,), dtype=jnp.float32).at[dst_f].add(1.0)
    dinv = jnp.where(deg > 0, 1.0 / jnp.sqrt(deg), 0.0)
    coeff = dinv[src_f] * dinv[dst_f]
    return src_f, dst_f, coeff


def reference(x, edge_index, head_W0, head_b0, head_W1, head_b1, head_W2, head_b2,
              head_W3, head_b3, head_W4, head_b4, skip_W0, skip_b0,
              glob_W0, glob_b0, glob_W1, glob_b1,
              tail_W0, tail_b0, tail_W1, tail_b1):
    src, dst, coeff = _edge_norm(edge_index)
    head_params = [(head_W0, head_b0), (head_W1, head_b1), (head_W2, head_b2),
                   (head_W3, head_b3), (head_W4, head_b4)]
    x_head = _stack(x, head_params, src, dst, coeff)
    x_skip = _stack(x, [(skip_W0, skip_b0)], src, dst, coeff)
    g = _stack(x, [(glob_W0, glob_b0), (glob_W1, glob_b1)], src, dst, coeff)
    x_global = jnp.broadcast_to(g.mean(axis=0, keepdims=True), (x_head.shape[0], NF))
    x_cat = jnp.concatenate([x_head, x_skip, x_global], axis=1)
    x_out = _stack(x_cat, [(tail_W0, tail_b0), (tail_W1, tail_b1)], src, dst, coeff)
    return jnp.tanh(x_out) * 0.5

if __name__ == "__main__":
    import jax
    _d = setup_inputs()
    print(jax.jit(kernel)(*tuple(_d.values())))

</pallas_src>

<mosaic_0001>
module attributes {stable_mosaic.version = 14 : i64} {
  func.func @_tc_final_body(%arg0: memref<10000x128xf32, #tpu.memory_space<vmem>>, %arg1: memref<10000x1xf32, #tpu.memory_space<vmem>>, %arg2: memref<1x128xf32, #tpu.memory_space<vmem>>, %arg3: memref<10000x128xf32, #tpu.memory_space<vmem>>) attributes {dimension_semantics = [], scalar_prefetch = 0 : i64, scratch_operands = 0 : i64, tpu.core_type = #tpu.core_type<tc>} {
    %get3A = arith.constant 0 : index
    %get3A_0 = arith.constant 0 : index
    %get3A_1 = vector.load %arg0[%get3A, %get3A_0] : memref<10000x128xf32, #tpu.memory_space<vmem>>, vector<10000x128xf32>
    %get3A_2 = arith.constant 0 : index
    %get3A_3 = arith.constant 0 : index
    %get3A_4 = vector.load %arg1[%get3A_2, %get3A_3] : memref<10000x1xf32, #tpu.memory_space<vmem>>, vector<10000x1xf32>
    %mul3A = vector.broadcast %get3A_4 : vector<10000x1xf32> to vector<10000x128xf32>
    %mul3A_5 = arith.mulf %get3A_1, %mul3A : vector<10000x128xf32>
    %get3A_6 = arith.constant 0 : index
    %get3A_7 = arith.constant 0 : index
    %get3A_8 = vector.load %arg2[%get3A_6, %get3A_7] : memref<1x128xf32, #tpu.memory_space<vmem>>, vector<1x128xf32>
    %add3A = vector.broadcast %get3A_8 : vector<1x128xf32> to vector<10000x128xf32>
    %add3A_9 = arith.addf %mul3A_5, %add3A : vector<10000x128xf32>
    %tanh3A = math.tanh %add3A_9 : vector<10000x128xf32>
    %mul3A_10 = arith.constant 5.000000e-01 : f32
    %mul3A_11 = vector.broadcast %mul3A_10 : f32 to vector<10000x128xf32>
    %mul3A_12 = arith.mulf %tanh3A, %mul3A_11 : vector<10000x128xf32>
    %swap3A = arith.constant 0 : index
    %swap3A_13 = arith.constant 0 : index
    %swap3A_14 = vector.load %arg3[%swap3A, %swap3A_13] : memref<10000x128xf32, #tpu.memory_space<vmem>>, vector<10000x128xf32>
    tpu.vector_store %arg3[%swap3A, %swap3A_13], %mul3A_12 {strides = array<i32>} : memref<10000x128xf32, #tpu.memory_space<vmem>>, vector<10000x128xf32>,
    return
  }
}

</mosaic_0001>

<sc_bundles>
// kernel: gather_offload_async_start.1
scs
__scs_entry_jumppad:
0x0: {  	(pc) =	sbr.rel $0x88, $3  }
0x1: {  	(tag) =	ssettag $0x0;
	lr =	simm.s32 $0x1  }
0x2: {  	[smem:$0x3F9F] =	sst lr;
	_ =	strace $0xD0000000  }
0x3: {  	_ = 	snop  }
0x4: {  	_ = 	snop  }
0x5: {  	_ = 	snop  }
0x6: {  	_ = 	snop  }
0x7: {  	_ = 	snop  }
__scs_overlays_trampoline_lowered:
0x8: {  	[smem:$0x3FAE] =	sst s0  }
0x9: {  	[smem:$0x3FAF] =	sst s1  }
0xa: {  	[smem:$0x3FB0] =	sst s2  }
0xb: {  	[smem:$0x3FB1] =	sst s3  }
0xc: {  	[smem:$0x3FB2] =	sst s4  }
0xd: {  	[smem:$0x3FB3] =	sst s5  }
0xe: {  	[smem:$0x3FB4] =	sst s6  }
0xf: {  	[smem:$0x3FB5] =	sst s7  }
0x10: {  	[smem:$0x3FB6] =	sst s8  }
0x11: {  	[smem:$0x3FB7] =	sst s9;
	s0 =	simm.s32 @!p0 $0x0  }
0x12: {  	s1 =	sld [smem:$0x3F9D];
	s0 =	simm.s32 @p0 $0x1  }
0x13: {  	[smem:$0x3FB8] =	sst s0;
	s0 =	simm.s32 @!p1 $0x0  }
0x14: {  	s2 =	sld [smem:$0x3F9C];
	s0 =	simm.s32 @p1 $0x1  }
0x15: {  	[smem:$0x3FB9] =	sst s0;
	s0 =	simm.s32 @!p2 $0x0  }
0x16: {  	s3 =	sld [smem:$0x3FDB];
	s0 =	simm.s32 @p2 $0x1  }
0x17: {  	s4 =	simm.s32 $0x1BF5;
	[smem:$0x3FBB] =	sst s0  }
0x18: {  	s0 =	sld [smem:$0x3F9E];
	_ =	swait.ge [sflag:s4], $0x0  }
0x19: {  	s7 =	sld [smem:$0x3F9F]  }
0x1a: {  	s8 =	sadd.s32 $0xFFFFE003, lr  }
0x1b: {  	s9 =	sadd.s32 $0xFFFFFEF7, lr;
	s5 =	simm.s32 $0xFFFFFFFF;
	p2 =	slt.u32 s8, $0xFFFFF086  }
0x1c: {  	p1 =	slt.u32 s9, $0xF7A;
	s5 =	simm.s32 @!p2 $0x0  }
0x1d: {  	s5 =	simm.s32 @p1 $0x1;
	p0 =	seq.s32 s7, s2  }
0x1e: {  	s7 =	smul.u32 @!p0 $0xF7A, s2;
	p2 =	seq.s32 @!p0 s5, $0x0  }
0x1f: {  	s9 =	smul.u32 $0xF7A, s1;
	s8 =	simm.s32 @!p0 $0x1BF5;
	p2 =	por !p2, p0  }
0x20: {  	[sflag:s8] =	ssyncset.s32 @!p0 $0xFFFFF086;
	s6 =	sadd.s32 @!p0 s3, s7;
	s7 =	simm.s32 @!p0 $0x108  }
0x21: {  	s3 =	sadd.s32 s3, s9;
	s6 =	sadd.s32 @!p0 $0x88, s6;
	s7 =	simm.s32 @p2 $0x1082  }
0x22: {  	[simem:s7], [sflag:s8] =	dma.local @!p0 [hbm:s6], $0xF7A  }
0x23: {  	s9 =	sor.u32 $0xD0000000, s2;
	s6 =	simm.s32 $0x108;
	_ =	swait.ge @!p0 [sflag:s8], $0x0  }
0x24: {  	s3 =	sadd.s32 $0x88, s3;
	s6 =	simm.s32 @!p1 $0x1082;
	[sflag:s4] =	ssyncset.s32 $0xFFFFF086  }
0x25: {  	[simem:s6], [sflag:s4] =	dma.local [hbm:s3], $0xF7A  }
0x26: {  	[smem:$0x3F9F] =	sst s1;
	(tag) =	ssettag s2;
	_ =	strace s9  }
0x27: {  	s1 =	sld [smem:$0x3FAF]  }
0x28: {  	s2 =	sld [smem:$0x3FB0]  }
0x29: {  	s4 =	sld [smem:$0x3FB2]  }
0x2a: {  	p0 =	seq.s32 s5, $0x0;
	s5 =	sld [smem:$0x3FB3]  }
0x2b: {  	s6 =	sld [smem:$0x3FB4]  }
0x2c: {  	s7 =	sld [smem:$0x3FB5]  }
0x2d: {  	s3 =	simm.s32 $0x108;
	s8 =	sld [smem:$0x3FB6]  }
0x2e: {  	s3 =	simm.s32 @!p0 $0x1082;
	s9 =	sld [smem:$0x3FB7]  }
0x2f: {  	lr =	sadd.s32 s0, s3;
	s0 =	sld [smem:$0x3FAE]  }
0x30: {  	s3 =	sld [smem:$0x3FB1]  }
0x31: {  	[smem:$0x3FBA] =	sst s10  }
0x32: {  	s10 =	sld [smem:$0x3FB8];
	_ =	sdelay $0x3  }
0x33: {  	p0 =	seq.s32 s10, $0x1;
	s10 =	sld [smem:$0x3FBA];
	_ =	sdelay $0x3  }
0x34: {  	[smem:$0x3FBA] =	sst s10  }
0x35: {  	s10 =	sld [smem:$0x3FB9];
	_ =	sdelay $0x3  }
0x36: {  	p1 =	seq.s32 s10, $0x1;
	s10 =	sld [smem:$0x3FBA];
	_ =	sdelay $0x3  }
0x37: {  	[smem:$0x3FBA] =	sst s10  }
0x38: {  	s10 =	sld [smem:$0x3FBB]  }
0x39: {  	_ = 	snop;
	(pc) =	sbr.ind lr, $3  }
0x3a: {  	_ = 	snop  }
0x3b: {  	_ = 	snop  }
0x3c: {  	p2 =	seq.s32 s10, $0x1;
	s10 =	sld [smem:$0x3FBA]  }
0x3d: {  	_ =	shalt  }
0x3e: {  	_ =	shalt  }
0x3f: {  	_ =	shalt  }
0x40: {  	_ =	shalt  }
0x41: {  	_ =	shalt  }
0x42: {  	_ =	shalt  }
0x43: {  	_ =	shalt  }
0x44: {  	_ =	shalt  }
0x45: {  	_ =	shalt  }
0x46: {  	_ =	shalt  }
0x47: {  	_ =	shalt  }
0x48: {  	_ =	shalt  }
0x49: {  	_ =	shalt  }
0x4a: {  	_ =	shalt  }
0x4b: {  	_ =	shalt  }
0x4c: {  	_ =	shalt  }
0x4d: {  	_ =	shalt  }
0x4e: {  	_ =	shalt  }
0x4f: {  	_ =	shalt  }
0x50: {  	_ =	shalt  }
0x51: {  	_ =	shalt  }
0x52: {  	_ =	shalt  }
0x53: {  	_ =	shalt  }
0x54: {  	_ =	shalt  }
0x55: {  	_ =	shalt  }
0x56: {  	_ =	shalt  }
0x57: {  	_ =	shalt  }
0x58: {  	_ =	shalt  }
0x59: {  	_ =	shalt  }
0x5a: {  	_ =	shalt  }
0x5b: {  	_ =	shalt  }
0x5c: {  	_ =	shalt  }
0x5d: {  	_ =	shalt  }
0x5e: {  	_ =	shalt  }
0x5f: {  	_ =	shalt  }
0x60: {  	_ =	shalt  }
0x61: {  	_ =	shalt  }
0x62: {  	_ =	shalt  }
0x63: {  	_ =	shalt  }
0x64: {  	_ =	shalt  }
0x65: {  	_ =	shalt  }
0x66: {  	_ =	shalt  }
0x67: {  	_ =	shalt  }
0x68: {  	_ =	shalt  }
0x69: {  	_ =	shalt  }
0x6a: {  	_ =	shalt  }
0x6b: {  	_ =	shalt  }
0x6c: {  	_ =	shalt  }
0x6d: {  	_ =	shalt  }
0x6e: {  	_ =	shalt  }
0x6f: {  	_ =	shalt  }
0x70: {  	_ =	shalt  }
0x71: {  	_ =	shalt  }
0x72: {  	_ =	shalt  }
0x73: {  	_ =	shalt  }
0x74: {  	_ =	shalt  }
0x75: {  	_ =	shalt  }
0x76: {  	_ =	shalt  }
0x77: {  	_ =	shalt  }
0x78: {  	_ =	shalt  }
0x79: {  	_ =	shalt  }
0x7a: {  	_ =	shalt  }
0x7b: {  	_ =	shalt  }
0x7c: {  	_ =	shalt  }
0x7d: {  	_ =	shalt  }
0x7e: {  	_ =	shalt  }
0x7f: {  	_ =	shalt  }
0x80: {  	_ =	shalt  }
0x81: {  	_ =	shalt  }
0x82: {  	_ =	shalt  }
0x83: {  	_ =	shalt  }
0x84: {  	_ =	shalt  }
0x85: {  	_ =	shalt  }
0x86: {  	_ =	shalt  }
0x87: {  	_ =	shalt  }
.Lfunc_end0:
.L_simem_size_0:
called_computation.4_lowered:
.L_overlay_start_0:
0x88: {  	s0 =	sld [smem:$0x3FD9]  }
0x89: {  	s1 =	sld [smem:$0x3FFE];
	_ =	sdelay $0x3  }
0x8a: {  	s0 =	sadd.s32 s1, s0  }
0x8b: {  	[smem:$0x3FC6] =	sst s0  }
0x8c: {  	_ = 	snop  }
0x8d: {  	s0 =	sld [smem:$0x3FD0];
	(tm) =	ssettm $0x1  }
0x8e: {  	s16 =	sld [smem:$0x3FFB];
	_ =	sdelay $0x3  }
0x8f: {  	_ =	strace s16  }
0x90: {  	s1 =	sld [smem:$0x3FFC];
	_ =	sdelay $0x3  }
0x91: {  	_ =	strace s1  }
0x92: {  	s1 =	sld [smem:$0x3FFD];
	_ =	sdelay $0x3  }
0x93: {  	_ =	strace s1  }
0x94: {  	_ =	strace $0x8FFFFFFF  }
0x95: {  	s17 =	sld [smem:$0x3FDB];
	_ =	sdelay $0x1  }
0x96: {  	s2 =	simm.s32 $_scs_section_size  }
0x97: {  	s3 =	simm.s32 $_size__tile_overlayer_lowered;
	s4 =	simm.s32 $_tile_overlayer_lowered  }
0x98: {  	s20 =	simm.s32 $0x1BFF;
	s19 =	sshll.u32 s4, $0x1;
	s1 =	sadd.s32 s2, s17  }
0x99: {  	s5 =	simm.s32 $0x0;
	s18 =	sshll.u32 s3, $0x1;
	s3 =	sadd.s32 s19, s1  }
0x9a: {  	[timem:s5], [sflag:s20] =	dma.local [hbm:s3], s18  }
0x9b: {  	_ =	swait.ge [sflag:s20], s18  }
0x9c: {  	s2 =	ssub.s32 $0x0, s18;
	[sflag:s20] =	ssyncset.done $0x0  }
0x9d: {  	[sflag:s20] =	ssyncadd.s32 s2;
	_ =	sdelay $0x1  }
0x9e: {  	s21 =	simm.s32 $0x1B8B  }
0x9f: {  	_ =	swait.ge [sflag:s21], $0x1  }
0xa0: {  	[sflag:s21] =	ssyncset.done $0x0  }
0xa1: {  	s23 =	simm.s32 $0x1B8E;
	s22 =	sld [smem:$0x3FFE];
	[sflag:s21] =	ssyncadd.s32 $0xFFFFFFFF  }
0xa2: {  	s24 =	simm.s32 $execute0_lowered;
	[smem:$0x3FD2] =	sst s23  }
0xa3: {  	s3 =	sshll.u32 s24, $0x1;
	_ =	strace $0x80000049;
	[dreg:$0x1] =	wrdreg $0xFFFFFFFF  }
0xa4: {  	s25 =	simm.s32 $_size_execute0_lowered;
	s1 =	sadd.s32 s1, s3;
	[dreg:$0x0] =	wrdreg $0x0  }
0xa5: {  	s3 =	sshll.u32 s25, $0x1;
	[dreg:$0x2] =	wrdreg s1  }
0xa6: {  	[dreg:$0x3] =	wrdreg s3  }
0xa7: {  	[dreg:$0x4] =	wrdreg $0xC0  }
0xa8: {  	_ =	task [dreg:s5], $0x5FFFF  }
0xa9: {  	[dreg:$0x1] =	wrdreg $0xFFFFFFFF  }
0xaa: {  	[dreg:$0x0] =	wrdreg $0x60  }
0xab: {  	[dreg:$0x2] =	wrdreg s22  }
0xac: {  	[dreg:$0x3] =	wrdreg s0  }
0xad: {  	[dreg:$0x4] =	wrdreg $0x9  }
0xae: {  	_ =	task.clear_ibuf [dreg:s5], $0x5FFFF;
	_ =	strace $0x90000049  }
0xaf: {  	s26 =	simm.s32 $0x9;
	_ =	strace $0x8000004B  }
0xb0: {  	_ =	swait.ge [sflag:s26], $0x1  }
0xb1: {  	[sflag:s26] =	ssyncadd.s32 $0xFFFFFFFF  }
0xb2: {  	_ =	strace $0x9000004B  }
0xb3: {  	_ =	sfence  }
0xb4: {  	s28 =	sld [smem:$0x0];
	_ =	sdelay $0x1  }
0xb5: {  	s29 =	srdreg.scid  }
0xb6: {  	s30 =	sshll.u32 s29, $0xD;
	s31 =	sshrl.u32 s29, $0x2  }
0xb7: {  	s2 =	sand.u32 $0x4000, s30;
	s1 =	sand.u32 $0x1, s29;
	s0 =	sadd.s32 s31, s28  }
0xb8: {  	s1 =	sor.u32 s2, s1;
	s0 =	sshll.u32 s0, $0x11  }
0xb9: {  	s0 =	sor.u32 s0, s1  }
0xba: {  	s0 =	sadd.s32 $0x8F2B, s0  }
0xbb: {  	[sflag:s0] =	ssyncadd.remote.s32 $0x1  }
0xbc: {  	_ =	sfence.sel $0xFFFF  }
0xbd: {  	[dreg:$0x0] =	wrdreg $0xFFFFFFFF;
	(pc) =	sbr.abs _section_cstart, $3  }
0xbe: {  	[dreg:$0x1] =	wrdreg $0xFFFFFFFF  }
0xbf: {  	_ =	task.clear_ibuf [dreg:s5], $0x2FFFF;
	_ =	strace $0x9FFFFFFF  }
0xc0: {  	(tm) =	ssettm $0x7FFFFFFF  }
0xc1: {  	_ =	shalt  }
tec
execute0_lowered:
.L_overlay_start_1:
0x0: {  	(tag) =	ssettag $0x1  }
0x1: {  	s8 =	rddreg [dreg:$0x0]  }
0x2: {  	s2 =	rddreg [dreg:$0x1]  }
0x3: {  	s0 =	rddreg [dreg:$0x2]  }
0x4: {  	s1 =	stileid.u32;
	_ =	strace $0x8000004A;
	s5 =	simm.s32 $0x1  }
0x5: {  	s6 =	simm.s32 $0x27100;
	s9 =	simm.s32 $0x1;
	s10 =	simm.s32 $0x3  }
0x6: {  	s13 =	simm.s32 $0x0;
	s12 =	simm.s32 $0x0;
	s4 =	smul.u32 $0x2710, s1  }
0x7: {  	s3 =	sadd.s32 $0x5A00, s8;
	p0 =	slt.u32 s1, $0x2;
	[sflag:s5] =	ssyncpa.u1 $0x0  }
.Ltmp0:
0x8: {  	s6 =	simm.s32 @!p0 $0x0;
	s7 =	ssub.s32 $0x29810, s4;
	(pc) =	sbr.rel .LBB2_1-.Ltmp0, $4  }
0x9: {  	s9 =	simm.s32 @!p0 $0x0;
	p0 =	sne.s32 s7, s6;
	s7 =	simm.s32 $0x1  }
0xa: {  	s8 =	sadd.s32 $0xAE00, s8;
	s6 =	simm.s32 $0x2;
	s7 =	simm.s32 @!p0 $0x0  }
0xb: {  	s11 =	smov.u32 s4;
	[sflag:s6] =	ssyncpa.u1 $0x0;
	s7 =	sadd.s32 s9, s7  }
0xc: {  	vm0 =	vmmov $0xffff;
	[sflag:s10] =	ssyncpa.u1 $0x0;
	s10 =	simm.s32 $0x0;
	s9 =	sadd.s32 $0x1, s7  }
.LBB2_4:
0xd: {  	v2 =	vnsel vm1, $0x0, v2  }
0xe: {  	vm1 =	vgt.s32 v0, $0x0;
	v2 =	vmin.u32 v2, $0x2980F  }
0xf: {  	v0 =	vnsel vm1, $0x0, v0  }
0x10: {  	v0 =	vmin.u32 v0, $0x2980F  }
0x11: {  	[tilespmem:s18], [sflag:$0x1] =	stream.indirect_vreg.gather [hbm4b:s3+s10], $0x1, v1, vm0, $0x4038;
	[tilespmem:$0x9C40] =	vst v63  }
0x12: {  	(ifvalue) =	ssetifvalue $0x7FFFFFFF  }
0x13: {  	[tilespmem:s15], [sflag:$0x1] =	stream.indirect_vreg.gather [hbm4b:s3+s10], $0x1, v2, vm0, $0x4038;
	[tilespmem:$0x9C40] =	vst v63  }
0x14: {  	s29 =	sadd.s32 $0x10, s15;
	(ifvalue) =	ssetifvalue $0x7FFFFFFF  }
0x15: {  	[tilespmem:s29], [sflag:$0x1] =	stream.indirect_vreg.gather [hbm4b:s3+s10], $0x1, v0, vm0, $0x4038;
	[tilespmem:$0x9C40] =	vst v63  }
0x16: {  	_ =	swait.ge [sflag:s5], $0x2710  }
0x17: {  	s30 =	sshrl.u32 s13, $0x3;
	[sflag:s5] =	ssyncset.done $0x0  }
0x18: {  	s31 =	sand.u32 $0x7, s13;
	s15 =	sadd.s32 s2, s30;
	[sflag:s5] =	ssyncadd.s32 $0xFFFFD8F0  }
0x19: {  	[hbm4b:s15+s31] =	stream.linear.scatter [tilespmem:s14], [sflag:$0x3], $0x2710, $0x38;
	[tilespmem:$0x9C40] =	vst v63  }
.LBB2_5:
0x1a: {  	s15 =	sadd.s32 $0x27100, s11  }
0x1b: {  	p1 =	sgt.s32 s15, $0x2980F  }
0x1c: {  	s15 =	smov.u32 @p1 s4;
	p1 =	sne.s32 s12, s9  }
.Ltmp1:
0x1d: {  	p0 =	slt.u32 s12, $0x2;
	(pc) =	sbr.rel @!p1 .LBB2_6-.Ltmp1, $4  }
0x1e: {  	s14 =	simm.s32 @!p0 $0x3  }
0x1f: {  	_ =	swait.ge @!p0 [sflag:s14], $0x2710  }
0x20: {  	s16 =	sadd.s32 $0x1, s12;
	s13 =	smov.u32 s11;
	[sflag:s14] =	ssyncset.done @!p0 $0x0  }
0x21: {  	s12 =	smov.u32 s16;
	s11 =	smov.u32 s15;
	[sflag:s14] =	ssyncadd.s32 @!p0 $0xFFFFD8F0  }
.LBB2_1:
0x22: {  	p0 =	sge.u32 s12, s7  }
0x23: {  	s14 =	sxor.u32 @!p0 $0x1, s12  }
0x24: {  	s14 =	smul.u32 @!p0 $0x9C40, s14  }
0x25: {  	s31 =	sadd.s32 $0xFFFFFFFF, s12;
	s15 =	sshrl.u32 @!p0 s11, $0x3  }
0x26: {  	s16 =	sand.u32 @!p0 $0x7, s11;
	s15 =	sadd.s32 @!p0 s8, s15;
	s14 =	sshra.s32 @!p0 s14, $0x2  }
0x27: {  	[tilespmem:s14], [sflag:$0x2] =	stream.linear.gather @!p0 [hbm4b:s15+s16], $0x2710, $0x38;
	[tilespmem:$0x9C40] =	vst v63  }
0x28: {  	p0 =	sge.u32 s31, s7  }
.Ltmp2:
0x29: {  	_ = 	snop;
	(pc) =	sbr.rel @p0 .LBB2_5-.Ltmp2, $1  }
0x2a: {  	_ =	sdelay $0x3  }
0x2b: {  	s14 =	sand.u32 $0x1, s12  }
0x2c: {  	_ =	swait.ge [sflag:s6], $0x2710;
	p0 =	seq.s32 s14, $0x1;
	s14 =	simm.s32 $0x2710  }
0x2d: {  	[sflag:s6] =	ssyncset.done $0x0;
	s14 =	simm.s32 @!p0 $0x0  }
0x2e: {  	[sflag:s6] =	ssyncadd.s32 $0xFFFFD8F0;
	(ifvalue) =	ssetifvalue $0x7FFFFFFF;
	v0 =	vld.msk [tilespmem:s14+$0x0 ss:$0x1], $0xffff;
	_ =	sdelay $0x4  }
0x2f: {  	s15 =	sadd.s32 $0x10, s14;
	vm1 =	vgt.s32 v0, $0x0  }
0x30: {  	v2 =	vld.msk [tilespmem:s15+$0x0 ss:$0x1], $0xffff;
	v1 =	vnsel vm1, $0x0, v0  }
0x31: {  	v1 =	vmin.u32 v1, $0x2980F;
	_ =	sdelay $0x2  }
0x32: {  	s17 =	simm.s32 $0x20;
	s14 =	sadd.s32 $0x4E20, s14;
	s16 =	sadd.s32 $0x10, s15  }
0x33: {  	s15 =	sadd.s32 $0x10, s14;
	s18 =	smov.u32 s14;
	v0 =	vld.msk [tilespmem:s16+$0x0 ss:$0x1], $0xffff;
	vm1 =	vgt.s32 v2, $0x0;
	(ifvalue) =	ssetifvalue $0x7FFFFFFF  }
.LBB2_3:
0x34: {  	[tilespmem:s18], [sflag:$0x1] =	stream.indirect_vreg.gather [hbm4b:s3+s10], $0x1, v1, vm0, $0x4038;
	[tilespmem:$0x9C40] =	vst v63  }
0x35: {  	s17 =	sadd.s32 $0x10, s17  }
0x36: {  	v2 =	vnsel vm1, $0x0, v2;
	p0 =	slt.u32 s17, $0x2700  }
.Ltmp3:
0x37: {  	s18 =	smov.u32 s15;
	v1 =	vmin.u32 v2, $0x2980F;
	(pc) =	sbr.rel @p0 .LBB2_3-.Ltmp3, $3  }
0x38: {  	_ =	sdelay $0x1  }
0x39: {  	s16 =	sadd.s32 $0x10, s16  }
0x3a: {  	vm1 =	vgt.s32 v0, $0x0;
	s15 =	sadd.s32 $0x10, s15;
	v2 =	vmov v0;
	(ifvalue) =	ssetifvalue $0x7FFFFFFF;
	v0 =	vld.msk [tilespmem:s16+$0x0 ss:$0x1], $0xffff  }
.Ltmp4:
0x3b: {  	_ = 	snop;
	(pc) =	sbr.rel .LBB2_4-.Ltmp4, $1  }
0x3c: {  	_ =	sdelay $0x3  }
.LBB2_6:
0x3d: {  	_ =	sfence.sel $0x180000  }
0x3e: {  	s2 =	simm.s32 $0x2;
	[bflag:$0x0] =	sbarrier.arrive $0xFFFF  }
0x3f: {  	s30 =	simm.s32 $0x3;
	[sflag:s2] =	ssyncpa.u1 $0x1  }
0x40: {  	s31 =	simm.s32 $0x1;
	[sflag:s30] =	ssyncpa.u1 $0x1  }
0x41: {  	[sflag:s31] =	ssyncpa.u1 $0x1  }
0x42: {  	p0 =	sne.s32 s1, $0x0;
	_ =	strace $0x9000004A  }
0x43: {  	s0 =	sadd.s32 @!p0 $0x100000, s0;
	[bflag:$0x2] =	sbarrier.arrive $0xFFFF  }
0x44: {  	[sflag:s0] =	ssyncadd.tile.s32 @!p0 $0x1;
	_ =	shalt  }
.Lfunc_end2:
_tile_overlayer_lowered:
.L_overlay_start_2:
0x45: {  	(tag) =	ssettag $0x2  }
0x46: {  	s0 =	rddreg [dreg:$0x0];
	s2 =	stileid.u32  }
0x47: {  	s1 =	rddreg [dreg:$0x1];
	p0 =	sne.s32 s2, $0x0  }
0x48: {  	s3 =	rddreg [dreg:$0x2];
	[bflag:$0x3] =	sbarrier.arrive $0xFFFF;
	s2 =	simm.s32 @!p0 $0x1C01  }
0x49: {  	[timem:s3], [sflag:s2] =	dma.local @!p0 [hbm:s0], s1  }
0x4a: {  	s0 =	simm.s32 @!p0 $0x1  }
0x4b: {  	_ =	swait.ge @!p0 [sflag:s0], s1  }
0x4c: {  	s1 =	ssub.s32 @!p0 $0x0, s1;
	[sflag:s0] =	ssyncset.done @!p0 $0x0  }
0x4d: {  	[sflag:s0] =	ssyncadd.s32 @!p0 s1  }
0x4e: {  	[bflag:$0x3] =	sbarrier.arrive $0xFFFF  }
0x4f: {  	_ =	shalt  }

// kernel: gather_offload_async_start.2
scs
__scs_entry_jumppad:
0x0: {  	(pc) =	sbr.rel $0x88, $3  }
0x1: {  	(tag) =	ssettag $0x0;
	lr =	simm.s32 $0x1  }
0x2: {  	[smem:$0x3F9F] =	sst lr;
	_ =	strace $0xD0000000  }
0x3: {  	_ = 	snop  }
0x4: {  	_ = 	snop  }
0x5: {  	_ = 	snop  }
0x6: {  	_ = 	snop  }
0x7: {  	_ = 	snop  }
__scs_overlays_trampoline_lowered:
0x8: {  	[smem:$0x3FAE] =	sst s0  }
0x9: {  	[smem:$0x3FAF] =	sst s1  }
0xa: {  	[smem:$0x3FB0] =	sst s2  }
0xb: {  	[smem:$0x3FB1] =	sst s3  }
0xc: {  	[smem:$0x3FB2] =	sst s4  }
0xd: {  	[smem:$0x3FB3] =	sst s5  }
0xe: {  	[smem:$0x3FB4] =	sst s6  }
0xf: {  	[smem:$0x3FB5] =	sst s7  }
0x10: {  	[smem:$0x3FB6] =	sst s8  }
0x11: {  	[smem:$0x3FB7] =	sst s9;
	s0 =	simm.s32 @!p0 $0x0  }
0x12: {  	s1 =	sld [smem:$0x3F9D];
	s0 =	simm.s32 @p0 $0x1  }
0x13: {  	[smem:$0x3FB8] =	sst s0;
	s0 =	simm.s32 @!p1 $0x0  }
0x14: {  	s2 =	sld [smem:$0x3F9C];
	s0 =	simm.s32 @p1 $0x1  }
0x15: {  	[smem:$0x3FB9] =	sst s0;
	s0 =	simm.s32 @!p2 $0x0  }
0x16: {  	s3 =	sld [smem:$0x3FDB];
	s0 =	simm.s32 @p2 $0x1  }
0x17: {  	s4 =	simm.s32 $0x1BF5;
	[smem:$0x3FBB] =	sst s0  }
0x18: {  	s0 =	sld [smem:$0x3F9E];
	_ =	swait.ge [sflag:s4], $0x0  }
0x19: {  	s7 =	sld [smem:$0x3F9F]  }
0x1a: {  	s8 =	sadd.s32 $0xFFFFE003, lr  }
0x1b: {  	s9 =	sadd.s32 $0xFFFFFEF7, lr;
	s5 =	simm.s32 $0xFFFFFFFF;
	p2 =	slt.u32 s8, $0xFFFFF086  }
0x1c: {  	p1 =	slt.u32 s9, $0xF7A;
	s5 =	simm.s32 @!p2 $0x0  }
0x1d: {  	s5 =	simm.s32 @p1 $0x1;
	p0 =	seq.s32 s7, s2  }
0x1e: {  	s7 =	smul.u32 @!p0 $0xF7A, s2;
	p2 =	seq.s32 @!p0 s5, $0x0  }
0x1f: {  	s9 =	smul.u32 $0xF7A, s1;
	s8 =	simm.s32 @!p0 $0x1BF5;
	p2 =	por !p2, p0  }
0x20: {  	[sflag:s8] =	ssyncset.s32 @!p0 $0xFFFFF086;
	s6 =	sadd.s32 @!p0 s3, s7;
	s7 =	simm.s32 @!p0 $0x108  }
0x21: {  	s3 =	sadd.s32 s3, s9;
	s6 =	sadd.s32 @!p0 $0x88, s6;
	s7 =	simm.s32 @p2 $0x1082  }
0x22: {  	[simem:s7], [sflag:s8] =	dma.local @!p0 [hbm:s6], $0xF7A  }
0x23: {  	s9 =	sor.u32 $0xD0000000, s2;
	s6 =	simm.s32 $0x108;
	_ =	swait.ge @!p0 [sflag:s8], $0x0  }
0x24: {  	s3 =	sadd.s32 $0x88, s3;
	s6 =	simm.s32 @!p1 $0x1082;
	[sflag:s4] =	ssyncset.s32 $0xFFFFF086  }
0x25: {  	[simem:s6], [sflag:s4] =	dma.local [hbm:s3], $0xF7A  }
0x26: {  	[smem:$0x3F9F] =	sst s1;
	(tag) =	ssettag s2;
	_ =	strace s9  }
0x27: {  	s1 =	sld [smem:$0x3FAF]  }
0x28: {  	s2 =	sld [smem:$0x3FB0]  }
0x29: {  	s4 =	sld [smem:$0x3FB2]  }
0x2a: {  	p0 =	seq.s32 s5, $0x0;
	s5 =	sld [smem:$0x3FB3]  }
0x2b: {  	s6 =	sld [smem:$0x3FB4]  }
0x2c: {  	s7 =	sld [smem:$0x3FB5]  }
0x2d: {  	s3 =	simm.s32 $0x108;
	s8 =	sld [smem:$0x3FB6]  }
0x2e: {  	s3 =	simm.s32 @!p0 $0x1082;
	s9 =	sld [smem:$0x3FB7]  }
0x2f: {  	lr =	sadd.s32 s0, s3;
	s0 =	sld [smem:$0x3FAE]  }
0x30: {  	s3 =	sld [smem:$0x3FB1]  }
0x31: {  	[smem:$0x3FBA] =	sst s10  }
0x32: {  	s10 =	sld [smem:$0x3FB8];
	_ =	sdelay $0x3  }
0x33: {  	p0 =	seq.s32 s10, $0x1;
	s10 =	sld [smem:$0x3FBA];
	_ =	sdelay $0x3  }
0x34: {  	[smem:$0x3FBA] =	sst s10  }
0x35: {  	s10 =	sld [smem:$0x3FB9];
	_ =	sdelay $0x3  }
0x36: {  	p1 =	seq.s32 s10, $0x1;
	s10 =	sld [smem:$0x3FBA];
	_ =	sdelay $0x3  }
0x37: {  	[smem:$0x3FBA] =	sst s10  }
0x38: {  	s10 =	sld [smem:$0x3FBB]  }
0x39: {  	_ = 	snop;
	(pc) =	sbr.ind lr, $3  }
0x3a: {  	_ = 	snop  }
0x3b: {  	_ = 	snop  }
0x3c: {  	p2 =	seq.s32 s10, $0x1;
	s10 =	sld [smem:$0x3FBA]  }
0x3d: {  	_ =	shalt  }
0x3e: {  	_ =	shalt  }
0x3f: {  	_ =	shalt  }
0x40: {  	_ =	shalt  }
0x41: {  	_ =	shalt  }
0x42: {  	_ =	shalt  }
0x43: {  	_ =	shalt  }
0x44: {  	_ =	shalt  }
0x45: {  	_ =	shalt  }
0x46: {  	_ =	shalt  }
0x47: {  	_ =	shalt  }
0x48: {  	_ =	shalt  }
0x49: {  	_ =	shalt  }
0x4a: {  	_ =	shalt  }
0x4b: {  	_ =	shalt  }
0x4c: {  	_ =	shalt  }
0x4d: {  	_ =	shalt  }
0x4e: {  	_ =	shalt  }
0x4f: {  	_ =	shalt  }
0x50: {  	_ =	shalt  }
0x51: {  	_ =	shalt  }
0x52: {  	_ =	shalt  }
0x53: {  	_ =	shalt  }
0x54: {  	_ =	shalt  }
0x55: {  	_ =	shalt  }
0x56: {  	_ =	shalt  }
0x57: {  	_ =	shalt  }
0x58: {  	_ =	shalt  }
0x59: {  	_ =	shalt  }
0x5a: {  	_ =	shalt  }
0x5b: {  	_ =	shalt  }
0x5c: {  	_ =	shalt  }
0x5d: {  	_ =	shalt  }
0x5e: {  	_ =	shalt  }
0x5f: {  	_ =	shalt  }
0x60: {  	_ =	shalt  }
0x61: {  	_ =	shalt  }
0x62: {  	_ =	shalt  }
0x63: {  	_ =	shalt  }
0x64: {  	_ =	shalt  }
0x65: {  	_ =	shalt  }
0x66: {  	_ =	shalt  }
0x67: {  	_ =	shalt  }
0x68: {  	_ =	shalt  }
0x69: {  	_ =	shalt  }
0x6a: {  	_ =	shalt  }
0x6b: {  	_ =	shalt  }
0x6c: {  	_ =	shalt  }
0x6d: {  	_ =	shalt  }
0x6e: {  	_ =	shalt  }
0x6f: {  	_ =	shalt  }
0x70: {  	_ =	shalt  }
0x71: {  	_ =	shalt  }
0x72: {  	_ =	shalt  }
0x73: {  	_ =	shalt  }
0x74: {  	_ =	shalt  }
0x75: {  	_ =	shalt  }
0x76: {  	_ =	shalt  }
0x77: {  	_ =	shalt  }
0x78: {  	_ =	shalt  }
0x79: {  	_ =	shalt  }
0x7a: {  	_ =	shalt  }
0x7b: {  	_ =	shalt  }
0x7c: {  	_ =	shalt  }
0x7d: {  	_ =	shalt  }
0x7e: {  	_ =	shalt  }
0x7f: {  	_ =	shalt  }
0x80: {  	_ =	shalt  }
0x81: {  	_ =	shalt  }
0x82: {  	_ =	shalt  }
0x83: {  	_ =	shalt  }
0x84: {  	_ =	shalt  }
0x85: {  	_ =	shalt  }
0x86: {  	_ =	shalt  }
0x87: {  	_ =	shalt  }
.Lfunc_end0:
.L_simem_size_0:
called_computation.5_lowered:
.L_overlay_start_0:
0x88: {  	s0 =	sld [smem:$0x3FD9]  }
0x89: {  	s1 =	sld [smem:$0x3FFE];
	_ =	sdelay $0x3  }
0x8a: {  	s0 =	sadd.s32 s1, s0  }
0x8b: {  	[smem:$0x3FC6] =	sst s0  }
0x8c: {  	_ = 	snop  }
0x8d: {  	(tm) =	ssettm $0x1  }
0x8e: {  	s15 =	sld [smem:$0x3FFB];
	_ =	sdelay $0x3  }
0x8f: {  	_ =	strace s15  }
0x90: {  	s0 =	sld [smem:$0x3FFC];
	_ =	sdelay $0x3  }
0x91: {  	_ =	strace s0  }
0x92: {  	s0 =	sld [smem:$0x3FFD];
	_ =	sdelay $0x3  }
0x93: {  	_ =	strace s0  }
0x94: {  	_ =	strace $0x8FFFFFFF  }
0x95: {  	s16 =	sld [smem:$0x3FDB];
	_ =	sdelay $0x1  }
0x96: {  	s17 =	simm.s32 $_scs_section_size  }
0x97: {  	s2 =	simm.s32 $_size__tile_overlayer_lowered;
	s3 =	simm.s32 $_tile_overlayer_lowered  }
0x98: {  	s20 =	simm.s32 $0x1BFF;
	s19 =	sshll.u32 s3, $0x1;
	s0 =	sadd.s32 s17, s16  }
0x99: {  	s4 =	simm.s32 $0x0;
	s18 =	sshll.u32 s2, $0x1;
	s2 =	sadd.s32 s19, s0  }
0x9a: {  	[timem:s4], [sflag:s20] =	dma.local [hbm:s2], s18  }
0x9b: {  	_ =	swait.ge [sflag:s20], s18  }
0x9c: {  	s1 =	ssub.s32 $0x0, s18;
	[sflag:s20] =	ssyncset.done $0x0  }
0x9d: {  	[sflag:s20] =	ssyncadd.s32 s1;
	_ =	sdelay $0x1  }
0x9e: {  	s21 =	simm.s32 $0x1B8B  }
0x9f: {  	_ =	swait.ge [sflag:s21], $0x1  }
0xa0: {  	[sflag:s21] =	ssyncset.done $0x0  }
0xa1: {  	s23 =	simm.s32 $0x1B8E;
	s22 =	sld [smem:$0x3FFE];
	[sflag:s21] =	ssyncadd.s32 $0xFFFFFFFF  }
0xa2: {  	s24 =	simm.s32 $execute0_lowered;
	[smem:$0x3FD2] =	sst s23  }
0xa3: {  	s2 =	sshll.u32 s24, $0x1;
	_ =	strace $0x8000004C;
	[dreg:$0x1] =	wrdreg $0xFFFFFFFF  }
0xa4: {  	s25 =	simm.s32 $_size_execute0_lowered;
	s0 =	sadd.s32 s0, s2;
	[dreg:$0x0] =	wrdreg $0x0  }
0xa5: {  	s2 =	sshll.u32 s25, $0x1;
	[dreg:$0x2] =	wrdreg s0  }
0xa6: {  	[dreg:$0x3] =	wrdreg s2  }
0xa7: {  	[dreg:$0x4] =	wrdreg $0xC0  }
0xa8: {  	_ =	task [dreg:s4], $0x5FFFF  }
0xa9: {  	[dreg:$0x1] =	wrdreg $0xFFFFFFFF  }
0xaa: {  	[dreg:$0x0] =	wrdreg $0x60  }
0xab: {  	[dreg:$0x2] =	wrdreg s22  }
0xac: {  	[dreg:$0x3] =	wrdreg $0x9  }
0xad: {  	_ =	task.clear_ibuf [dreg:s4], $0x4FFFF;
	_ =	strace $0x9000004C  }
0xae: {  	s26 =	simm.s32 $0x9;
	_ =	strace $0x8000004E  }
0xaf: {  	_ =	swait.ge [sflag:s26], $0x1  }
0xb0: {  	[sflag:s26] =	ssyncadd.s32 $0xFFFFFFFF  }
0xb1: {  	_ =	strace $0x9000004E  }
0xb2: {  	_ =	sfence  }
0xb3: {  	s28 =	sld [smem:$0x0];
	_ =	sdelay $0x1  }
0xb4: {  	s29 =	srdreg.scid  }
0xb5: {  	s30 =	sshll.u32 s29, $0xD;
	s31 =	sshrl.u32 s29, $0x2  }
0xb6: {  	s1 =	sand.u32 $0x1, s29;
	s2 =	sand.u32 $0x4000, s30;
	s0 =	sadd.s32 s31, s28  }
0xb7: {  	s1 =	sor.u32 s2, s1;
	s0 =	sshll.u32 s0, $0x11  }
0xb8: {  	s0 =	sor.u32 s0, s1  }
0xb9: {  	s0 =	sadd.s32 $0x8F2B, s0  }
0xba: {  	[sflag:s0] =	ssyncadd.remote.s32 $0x1  }
0xbb: {  	_ =	sfence.sel $0xFFFF  }
0xbc: {  	[dreg:$0x0] =	wrdreg $0xFFFFFFFF;
	(pc) =	sbr.abs _section_cstart, $3  }
0xbd: {  	[dreg:$0x1] =	wrdreg $0xFFFFFFFF  }
0xbe: {  	_ =	task.clear_ibuf [dreg:s4], $0x2FFFF;
	_ =	strace $0x9FFFFFFF  }
0xbf: {  	(tm) =	ssettm $0x7FFFFFFF  }
tec
execute0_lowered:
.L_overlay_start_1:
0x0: {  	(tag) =	ssettag $0x1  }
0x1: {  	s2 =	rddreg [dreg:$0x0]  }
0x2: {  	s0 =	rddreg [dreg:$0x1]  }
0x3: {  	_ =	strace $0x8000004D;
	s4 =	simm.s32 $0x1;
	s1 =	stileid.u32  }
0x4: {  	s7 =	simm.s32 $0x1;
	s8 =	simm.s32 $0x1;
	s6 =	simm.s32 $0x2  }
0x5: {  	s9 =	simm.s32 $0x3;
	s10 =	simm.s32 $0x0;
	s13 =	simm.s32 $0x0  }
.Ltmp0:
0x6: {  	s12 =	simm.s32 $0x0;
	p0 =	slt.u32 s1, $0xA;
	(pc) =	sbr.rel .LBB2_1-.Ltmp0, $4  }
0x7: {  	[sflag:s4] =	ssyncpa.u1 $0x0;
	s7 =	simm.s32 @!p0 $0x0;
	p0 =	sne.s32 s1, $0x9  }
0x8: {  	s5 =	smul.u32 $0x190, s1;
	[sflag:s6] =	ssyncpa.u1 $0x0;
	s8 =	simm.s32 @!p0 $0x0  }
0x9: {  	s3 =	sadd.s32 $0x11000, s2;
	[sflag:s9] =	ssyncpa.u1 $0x0;
	s7 =	sadd.s32 s8, s7  }
0xa: {  	vm0 =	vmmov $0xffff;
	s11 =	smov.u32 s5;
	s8 =	sadd.s32 $0x10200, s2;
	s9 =	sadd.s32 $0x1, s7  }
.LBB2_4:
0xb: {  	v2 =	vnsel vm1, $0x0, v2  }
0xc: {  	vm1 =	vgt.s32 v0, $0x0;
	v2 =	vmin.u32 v2, $0x2710  }
0xd: {  	v0 =	vnsel vm1, $0x0, v0  }
0xe: {  	v0 =	vmin.u32 v0, $0x2710  }
0xf: {  	[tilespmem:s18], [sflag:$0x1] =	stream.indirect_vreg.gather [hbm4b:s3+s10], $0x1, v1, vm0, $0x4038;
	[tilespmem:$0x640] =	vst v63  }
0x10: {  	(ifvalue) =	ssetifvalue $0x7FFFFFFF  }
0x11: {  	[tilespmem:s15], [sflag:$0x1] =	stream.indirect_vreg.gather [hbm4b:s3+s10], $0x1, v2, vm0, $0x4038;
	[tilespmem:$0x640] =	vst v63  }
0x12: {  	s29 =	sadd.s32 $0x10, s15;
	(ifvalue) =	ssetifvalue $0x7FFFFFFF  }
0x13: {  	[tilespmem:s29], [sflag:$0x1] =	stream.indirect_vreg.gather [hbm4b:s3+s10], $0x1, v0, vm0, $0x4038;
	[tilespmem:$0x640] =	vst v63  }
0x14: {  	_ =	swait.ge [sflag:s4], $0x190  }
0x15: {  	s30 =	sshrl.u32 s13, $0x3;
	[sflag:s4] =	ssyncset.done $0x0  }
0x16: {  	s31 =	sand.u32 $0x7, s13;
	s15 =	sadd.s32 s8, s30;
	[sflag:s4] =	ssyncadd.s32 $0xFFFFFE70  }
0x17: {  	[hbm4b:s15+s31] =	stream.linear.scatter [tilespmem:s14], [sflag:$0x3], $0x190, $0x38;
	[tilespmem:$0x640] =	vst v63  }
.LBB2_5:
0x18: {  	s15 =	sadd.s32 $0x1900, s11  }
0x19: {  	p1 =	sgt.s32 s15, $0x270F  }
0x1a: {  	s15 =	smov.u32 @p1 s5;
	p1 =	sne.s32 s12, s9  }
.Ltmp1:
0x1b: {  	p0 =	slt.u32 s12, $0x2;
	(pc) =	sbr.rel @!p1 .LBB2_6-.Ltmp1, $4  }
0x1c: {  	s14 =	simm.s32 @!p0 $0x3  }
0x1d: {  	_ =	swait.ge @!p0 [sflag:s14], $0x190  }
0x1e: {  	s16 =	sadd.s32 $0x1, s12;
	s13 =	smov.u32 s11;
	[sflag:s14] =	ssyncset.done @!p0 $0x0  }
0x1f: {  	s12 =	smov.u32 s16;
	s11 =	smov.u32 s15;
	[sflag:s14] =	ssyncadd.s32 @!p0 $0xFFFFFE70  }
.LBB2_1:
0x20: {  	p0 =	sge.u32 s12, s7  }
0x21: {  	s14 =	sxor.u32 @!p0 $0x1, s12  }
0x22: {  	s14 =	smul.u32 @!p0 $0x640, s14  }
0x23: {  	s31 =	sadd.s32 $0xFFFFFFFF, s12;
	s15 =	sshrl.u32 @!p0 s11, $0x3  }
0x24: {  	s16 =	sand.u32 @!p0 $0x7, s11;
	s15 =	sadd.s32 @!p0 s2, s15;
	s14 =	sshra.s32 @!p0 s14, $0x2  }
0x25: {  	[tilespmem:s14], [sflag:$0x2] =	stream.linear.gather @!p0 [hbm4b:s15+s16], $0x190, $0x38;
	[tilespmem:$0x640] =	vst v63  }
0x26: {  	p0 =	sge.u32 s31, s7  }
.Ltmp2:
0x27: {  	_ = 	snop;
	(pc) =	sbr.rel @p0 .LBB2_5-.Ltmp2, $1  }
0x28: {  	_ =	sdelay $0x3  }
0x29: {  	s14 =	sand.u32 $0x1, s12  }
0x2a: {  	_ =	swait.ge [sflag:s6], $0x190;
	p0 =	seq.s32 s14, $0x1;
	s14 =	simm.s32 $0x190  }
0x2b: {  	[sflag:s6] =	ssyncset.done $0x0;
	s14 =	simm.s32 @!p0 $0x0  }
0x2c: {  	[sflag:s6] =	ssyncadd.s32 $0xFFFFFE70;
	(ifvalue) =	ssetifvalue $0x7FFFFFFF;
	v0 =	vld.msk [tilespmem:s14+$0x0 ss:$0x1], $0xffff;
	_ =	sdelay $0x4  }
0x2d: {  	s15 =	sadd.s32 $0x10, s14;
	vm1 =	vgt.s32 v0, $0x0  }
0x2e: {  	v2 =	vld.msk [tilespmem:s15+$0x0 ss:$0x1], $0xffff;
	v1 =	vnsel vm1, $0x0, v0  }
0x2f: {  	v1 =	vmin.u32 v1, $0x2710;
	_ =	sdelay $0x2  }
0x30: {  	s17 =	simm.s32 $0x20;
	s14 =	sadd.s32 $0x320, s14;
	s16 =	sadd.s32 $0x10, s15  }
0x31: {  	s15 =	sadd.s32 $0x10, s14;
	s18 =	smov.u32 s14;
	v0 =	vld.msk [tilespmem:s16+$0x0 ss:$0x1], $0xffff;
	vm1 =	vgt.s32 v2, $0x0;
	(ifvalue) =	ssetifvalue $0x7FFFFFFF  }
.LBB2_3:
0x32: {  	[tilespmem:s18], [sflag:$0x1] =	stream.indirect_vreg.gather [hbm4b:s3+s10], $0x1, v1, vm0, $0x4038;
	[tilespmem:$0x640] =	vst v63  }
0x33: {  	s17 =	sadd.s32 $0x10, s17  }
0x34: {  	v2 =	vnsel vm1, $0x0, v2;
	p0 =	slt.u32 s17, $0x180  }
.Ltmp3:
0x35: {  	s18 =	smov.u32 s15;
	v1 =	vmin.u32 v2, $0x2710;
	(pc) =	sbr.rel @p0 .LBB2_3-.Ltmp3, $3  }
0x36: {  	_ =	sdelay $0x1  }
0x37: {  	s16 =	sadd.s32 $0x10, s16  }
0x38: {  	vm1 =	vgt.s32 v0, $0x0;
	s15 =	sadd.s32 $0x10, s15;
	v2 =	vmov v0;
	(ifvalue) =	ssetifvalue $0x7FFFFFFF;
	v0 =	vld.msk [tilespmem:s16+$0x0 ss:$0x1], $0xffff  }
.Ltmp4:
0x39: {  	_ = 	snop;
	(pc) =	sbr.rel .LBB2_4-.Ltmp4, $1  }
0x3a: {  	_ =	sdelay $0x3  }
.LBB2_6:
0x3b: {  	_ =	sfence.sel $0x180000  }
0x3c: {  	s2 =	simm.s32 $0x2;
	[bflag:$0x0] =	sbarrier.arrive $0xFFFF  }
0x3d: {  	s30 =	simm.s32 $0x3;
	[sflag:s2] =	ssyncpa.u1 $0x1  }
0x3e: {  	s31 =	simm.s32 $0x1;
	[sflag:s30] =	ssyncpa.u1 $0x1  }
0x3f: {  	[sflag:s31] =	ssyncpa.u1 $0x1  }
0x40: {  	p0 =	sne.s32 s1, $0x0;
	_ =	strace $0x9000004D  }
0x41: {  	s0 =	sadd.s32 @!p0 $0x100000, s0;
	[bflag:$0x2] =	sbarrier.arrive $0xFFFF  }
0x42: {  	[sflag:s0] =	ssyncadd.tile.s32 @!p0 $0x1;
	_ =	shalt  }
.Lfunc_end2:
_tile_overlayer_lowered:
.L_overlay_start_2:
0x43: {  	(tag) =	ssettag $0x2  }
0x44: {  	s0 =	rddreg [dreg:$0x0];
	s2 =	stileid.u32  }
0x45: {  	s1 =	rddreg [dreg:$0x1];
	p0 =	sne.s32 s2, $0x0  }
0x46: {  	s3 =	rddreg [dreg:$0x2];
	[bflag:$0x3] =	sbarrier.arrive $0xFFFF;
	s2 =	simm.s32 @!p0 $0x1C01  }
0x47: {  	[timem:s3], [sflag:s2] =	dma.local @!p0 [hbm:s0], s1  }
0x48: {  	s0 =	simm.s32 @!p0 $0x1  }
0x49: {  	_ =	swait.ge @!p0 [sflag:s0], s1  }
0x4a: {  	s1 =	ssub.s32 @!p0 $0x0, s1;
	[sflag:s0] =	ssyncset.done @!p0 $0x0  }
0x4b: {  	[sflag:s0] =	ssyncadd.s32 @!p0 s1  }
0x4c: {  	[bflag:$0x3] =	sbarrier.arrive $0xFFFF  }
0x4d: {  	_ =	shalt  }

// kernel: gather_offload_async_start
scs
__scs_entry_jumppad:
0x0: {  	(pc) =	sbr.rel $0x88, $3  }
0x1: {  	(tag) =	ssettag $0x0;
	lr =	simm.s32 $0x1  }
0x2: {  	[smem:$0x3F9F] =	sst lr;
	_ =	strace $0xD0000000  }
0x3: {  	_ = 	snop  }
0x4: {  	_ = 	snop  }
0x5: {  	_ = 	snop  }
0x6: {  	_ = 	snop  }
0x7: {  	_ = 	snop  }
__scs_overlays_trampoline_lowered:
0x8: {  	[smem:$0x3FAE] =	sst s0  }
0x9: {  	[smem:$0x3FAF] =	sst s1  }
0xa: {  	[smem:$0x3FB0] =	sst s2  }
0xb: {  	[smem:$0x3FB1] =	sst s3  }
0xc: {  	[smem:$0x3FB2] =	sst s4  }
0xd: {  	[smem:$0x3FB3] =	sst s5  }
0xe: {  	[smem:$0x3FB4] =	sst s6  }
0xf: {  	[smem:$0x3FB5] =	sst s7  }
0x10: {  	[smem:$0x3FB6] =	sst s8  }
0x11: {  	[smem:$0x3FB7] =	sst s9;
	s0 =	simm.s32 @!p0 $0x0  }
0x12: {  	s1 =	sld [smem:$0x3F9D];
	s0 =	simm.s32 @p0 $0x1  }
0x13: {  	[smem:$0x3FB8] =	sst s0;
	s0 =	simm.s32 @!p1 $0x0  }
0x14: {  	s2 =	sld [smem:$0x3F9C];
	s0 =	simm.s32 @p1 $0x1  }
0x15: {  	[smem:$0x3FB9] =	sst s0;
	s0 =	simm.s32 @!p2 $0x0  }
0x16: {  	s3 =	sld [smem:$0x3FDB];
	s0 =	simm.s32 @p2 $0x1  }
0x17: {  	s4 =	simm.s32 $0x1BF5;
	[smem:$0x3FBB] =	sst s0  }
0x18: {  	s0 =	sld [smem:$0x3F9E];
	_ =	swait.ge [sflag:s4], $0x0  }
0x19: {  	s7 =	sld [smem:$0x3F9F]  }
0x1a: {  	s8 =	sadd.s32 $0xFFFFE003, lr  }
0x1b: {  	s9 =	sadd.s32 $0xFFFFFEF7, lr;
	s5 =	simm.s32 $0xFFFFFFFF;
	p2 =	slt.u32 s8, $0xFFFFF086  }
0x1c: {  	p1 =	slt.u32 s9, $0xF7A;
	s5 =	simm.s32 @!p2 $0x0  }
0x1d: {  	s5 =	simm.s32 @p1 $0x1;
	p0 =	seq.s32 s7, s2  }
0x1e: {  	s7 =	smul.u32 @!p0 $0xF7A, s2;
	p2 =	seq.s32 @!p0 s5, $0x0  }
0x1f: {  	s9 =	smul.u32 $0xF7A, s1;
	s8 =	simm.s32 @!p0 $0x1BF5;
	p2 =	por !p2, p0  }
0x20: {  	[sflag:s8] =	ssyncset.s32 @!p0 $0xFFFFF086;
	s6 =	sadd.s32 @!p0 s3, s7;
	s7 =	simm.s32 @!p0 $0x108  }
0x21: {  	s3 =	sadd.s32 s3, s9;
	s6 =	sadd.s32 @!p0 $0x88, s6;
	s7 =	simm.s32 @p2 $0x1082  }
0x22: {  	[simem:s7], [sflag:s8] =	dma.local @!p0 [hbm:s6], $0xF7A  }
0x23: {  	s9 =	sor.u32 $0xD0000000, s2;
	s6 =	simm.s32 $0x108;
	_ =	swait.ge @!p0 [sflag:s8], $0x0  }
0x24: {  	s3 =	sadd.s32 $0x88, s3;
	s6 =	simm.s32 @!p1 $0x1082;
	[sflag:s4] =	ssyncset.s32 $0xFFFFF086  }
0x25: {  	[simem:s6], [sflag:s4] =	dma.local [hbm:s3], $0xF7A  }
0x26: {  	[smem:$0x3F9F] =	sst s1;
	(tag) =	ssettag s2;
	_ =	strace s9  }
0x27: {  	s1 =	sld [smem:$0x3FAF]  }
0x28: {  	s2 =	sld [smem:$0x3FB0]  }
0x29: {  	s4 =	sld [smem:$0x3FB2]  }
0x2a: {  	p0 =	seq.s32 s5, $0x0;
	s5 =	sld [smem:$0x3FB3]  }
0x2b: {  	s6 =	sld [smem:$0x3FB4]  }
0x2c: {  	s7 =	sld [smem:$0x3FB5]  }
0x2d: {  	s3 =	simm.s32 $0x108;
	s8 =	sld [smem:$0x3FB6]  }
0x2e: {  	s3 =	simm.s32 @!p0 $0x1082;
	s9 =	sld [smem:$0x3FB7]  }
0x2f: {  	lr =	sadd.s32 s0, s3;
	s0 =	sld [smem:$0x3FAE]  }
0x30: {  	s3 =	sld [smem:$0x3FB1]  }
0x31: {  	[smem:$0x3FBA] =	sst s10  }
0x32: {  	s10 =	sld [smem:$0x3FB8];
	_ =	sdelay $0x3  }
0x33: {  	p0 =	seq.s32 s10, $0x1;
	s10 =	sld [smem:$0x3FBA];
	_ =	sdelay $0x3  }
0x34: {  	[smem:$0x3FBA] =	sst s10  }
0x35: {  	s10 =	sld [smem:$0x3FB9];
	_ =	sdelay $0x3  }
0x36: {  	p1 =	seq.s32 s10, $0x1;
	s10 =	sld [smem:$0x3FBA];
	_ =	sdelay $0x3  }
0x37: {  	[smem:$0x3FBA] =	sst s10  }
0x38: {  	s10 =	sld [smem:$0x3FBB]  }
0x39: {  	_ = 	snop;
	(pc) =	sbr.ind lr, $3  }
0x3a: {  	_ = 	snop  }
0x3b: {  	_ = 	snop  }
0x3c: {  	p2 =	seq.s32 s10, $0x1;
	s10 =	sld [smem:$0x3FBA]  }
0x3d: {  	_ =	shalt  }
0x3e: {  	_ =	shalt  }
0x3f: {  	_ =	shalt  }
0x40: {  	_ =	shalt  }
0x41: {  	_ =	shalt  }
0x42: {  	_ =	shalt  }
0x43: {  	_ =	shalt  }
0x44: {  	_ =	shalt  }
0x45: {  	_ =	shalt  }
0x46: {  	_ =	shalt  }
0x47: {  	_ =	shalt  }
0x48: {  	_ =	shalt  }
0x49: {  	_ =	shalt  }
0x4a: {  	_ =	shalt  }
0x4b: {  	_ =	shalt  }
0x4c: {  	_ =	shalt  }
0x4d: {  	_ =	shalt  }
0x4e: {  	_ =	shalt  }
0x4f: {  	_ =	shalt  }
0x50: {  	_ =	shalt  }
0x51: {  	_ =	shalt  }
0x52: {  	_ =	shalt  }
0x53: {  	_ =	shalt  }
0x54: {  	_ =	shalt  }
0x55: {  	_ =	shalt  }
0x56: {  	_ =	shalt  }
0x57: {  	_ =	shalt  }
0x58: {  	_ =	shalt  }
0x59: {  	_ =	shalt  }
0x5a: {  	_ =	shalt  }
0x5b: {  	_ =	shalt  }
0x5c: {  	_ =	shalt  }
0x5d: {  	_ =	shalt  }
0x5e: {  	_ =	shalt  }
0x5f: {  	_ =	shalt  }
0x60: {  	_ =	shalt  }
0x61: {  	_ =	shalt  }
0x62: {  	_ =	shalt  }
0x63: {  	_ =	shalt  }
0x64: {  	_ =	shalt  }
0x65: {  	_ =	shalt  }
0x66: {  	_ =	shalt  }
0x67: {  	_ =	shalt  }
0x68: {  	_ =	shalt  }
0x69: {  	_ =	shalt  }
0x6a: {  	_ =	shalt  }
0x6b: {  	_ =	shalt  }
0x6c: {  	_ =	shalt  }
0x6d: {  	_ =	shalt  }
0x6e: {  	_ =	shalt  }
0x6f: {  	_ =	shalt  }
0x70: {  	_ =	shalt  }
0x71: {  	_ =	shalt  }
0x72: {  	_ =	shalt  }
0x73: {  	_ =	shalt  }
0x74: {  	_ =	shalt  }
0x75: {  	_ =	shalt  }
0x76: {  	_ =	shalt  }
0x77: {  	_ =	shalt  }
0x78: {  	_ =	shalt  }
0x79: {  	_ =	shalt  }
0x7a: {  	_ =	shalt  }
0x7b: {  	_ =	shalt  }
0x7c: {  	_ =	shalt  }
0x7d: {  	_ =	shalt  }
0x7e: {  	_ =	shalt  }
0x7f: {  	_ =	shalt  }
0x80: {  	_ =	shalt  }
0x81: {  	_ =	shalt  }
0x82: {  	_ =	shalt  }
0x83: {  	_ =	shalt  }
0x84: {  	_ =	shalt  }
0x85: {  	_ =	shalt  }
0x86: {  	_ =	shalt  }
0x87: {  	_ =	shalt  }
.Lfunc_end0:
.L_simem_size_0:
called_computation.3_lowered:
.L_overlay_start_0:
0x88: {  	s0 =	sld [smem:$0x3FD9]  }
0x89: {  	s1 =	sld [smem:$0x3FFE];
	_ =	sdelay $0x3  }
0x8a: {  	s0 =	sadd.s32 s1, s0  }
0x8b: {  	[smem:$0x3FC6] =	sst s0  }
0x8c: {  	_ = 	snop  }
0x8d: {  	(tm) =	ssettm $0x1  }
0x8e: {  	s15 =	sld [smem:$0x3FFB];
	_ =	sdelay $0x3  }
0x8f: {  	_ =	strace s15  }
0x90: {  	s0 =	sld [smem:$0x3FFC];
	_ =	sdelay $0x3  }
0x91: {  	_ =	strace s0  }
0x92: {  	s0 =	sld [smem:$0x3FFD];
	_ =	sdelay $0x3  }
0x93: {  	_ =	strace s0  }
0x94: {  	_ =	strace $0x8FFFFFFF  }
0x95: {  	s16 =	sld [smem:$0x3FDB];
	_ =	sdelay $0x1  }
0x96: {  	s17 =	simm.s32 $_scs_section_size  }
0x97: {  	s2 =	simm.s32 $_size__tile_overlayer_lowered;
	s3 =	simm.s32 $_tile_overlayer_lowered  }
0x98: {  	s20 =	simm.s32 $0x1BFF;
	s19 =	sshll.u32 s3, $0x1;
	s0 =	sadd.s32 s17, s16  }
0x99: {  	s4 =	simm.s32 $0x0;
	s18 =	sshll.u32 s2, $0x1;
	s2 =	sadd.s32 s19, s0  }
0x9a: {  	[timem:s4], [sflag:s20] =	dma.local [hbm:s2], s18  }
0x9b: {  	_ =	swait.ge [sflag:s20], s18  }
0x9c: {  	s1 =	ssub.s32 $0x0, s18;
	[sflag:s20] =	ssyncset.done $0x0  }
0x9d: {  	[sflag:s20] =	ssyncadd.s32 s1;
	_ =	sdelay $0x1  }
0x9e: {  	s21 =	simm.s32 $0x1B8B  }
0x9f: {  	_ =	swait.ge [sflag:s21], $0x1  }
0xa0: {  	[sflag:s21] =	ssyncset.done $0x0  }
0xa1: {  	s23 =	simm.s32 $0x1B8E;
	s22 =	sld [smem:$0x3FFE];
	[sflag:s21] =	ssyncadd.s32 $0xFFFFFFFF  }
0xa2: {  	s24 =	simm.s32 $execute0_lowered;
	[smem:$0x3FD2] =	sst s23  }
0xa3: {  	s2 =	sshll.u32 s24, $0x1;
	_ =	strace $0x80000052;
	[dreg:$0x1] =	wrdreg $0xFFFFFFFF  }
0xa4: {  	s25 =	simm.s32 $_size_execute0_lowered;
	s0 =	sadd.s32 s0, s2;
	[dreg:$0x0] =	wrdreg $0x0  }
0xa5: {  	s2 =	sshll.u32 s25, $0x1;
	[dreg:$0x2] =	wrdreg s0  }
0xa6: {  	[dreg:$0x3] =	wrdreg s2  }
0xa7: {  	[dreg:$0x4] =	wrdreg $0xC0  }
0xa8: {  	_ =	task [dreg:s4], $0x5FFFF  }
0xa9: {  	[dreg:$0x1] =	wrdreg $0xFFFFFFFF  }
0xaa: {  	[dreg:$0x0] =	wrdreg $0x60  }
0xab: {  	[dreg:$0x2] =	wrdreg s22  }
0xac: {  	[dreg:$0x3] =	wrdreg $0x9  }
0xad: {  	_ =	task.clear_ibuf [dreg:s4], $0x4FFFF;
	_ =	strace $0x90000052  }
0xae: {  	s26 =	simm.s32 $0x9;
	_ =	strace $0x80000054  }
0xaf: {  	_ =	swait.ge [sflag:s26], $0x1  }
0xb0: {  	[sflag:s26] =	ssyncadd.s32 $0xFFFFFFFF  }
0xb1: {  	_ =	strace $0x90000054  }
0xb2: {  	_ =	sfence  }
0xb3: {  	s28 =	sld [smem:$0x0];
	_ =	sdelay $0x1  }
0xb4: {  	s29 =	srdreg.scid  }
0xb5: {  	s30 =	sshll.u32 s29, $0xD;
	s31 =	sshrl.u32 s29, $0x2  }
0xb6: {  	s1 =	sand.u32 $0x1, s29;
	s2 =	sand.u32 $0x4000, s30;
	s0 =	sadd.s32 s31, s28  }
0xb7: {  	s1 =	sor.u32 s2, s1;
	s0 =	sshll.u32 s0, $0x11  }
0xb8: {  	s0 =	sor.u32 s0, s1  }
0xb9: {  	s0 =	sadd.s32 $0x8F2B, s0  }
0xba: {  	[sflag:s0] =	ssyncadd.remote.s32 $0x1  }
0xbb: {  	_ =	sfence.sel $0xFFFF  }
0xbc: {  	[dreg:$0x0] =	wrdreg $0xFFFFFFFF;
	(pc) =	sbr.abs _section_cstart, $3  }
0xbd: {  	[dreg:$0x1] =	wrdreg $0xFFFFFFFF  }
0xbe: {  	_ =	task.clear_ibuf [dreg:s4], $0x2FFFF;
	_ =	strace $0x9FFFFFFF  }
0xbf: {  	(tm) =	ssettm $0x7FFFFFFF  }
tec
execute0_lowered:
.L_overlay_start_1:
0x0: {  	(tag) =	ssettag $0x1  }
0x1: {  	s8 =	rddreg [dreg:$0x0]  }
0x2: {  	s0 =	rddreg [dreg:$0x1];
	_ =	strace $0x80000053  }
0x3: {  	s1 =	stileid.u32;
	s5 =	simm.s32 $0x1;
	s6 =	simm.s32 $0x27100  }
0x4: {  	s9 =	simm.s32 $0x1;
	s10 =	simm.s32 $0x3;
	s13 =	simm.s32 $0x0  }
0x5: {  	s12 =	simm.s32 $0x0;
	s2 =	sadd.s32 $0x600, s8;
	s4 =	smul.u32 $0x2710, s1  }
0x6: {  	s3 =	sadd.s32 $0xAE00, s8;
	p0 =	slt.u32 s1, $0x2;
	[sflag:s5] =	ssyncpa.u1 $0x0  }
.Ltmp0:
0x7: {  	s6 =	simm.s32 @!p0 $0x0;
	s7 =	ssub.s32 $0x29810, s4;
	(pc) =	sbr.rel .LBB2_1-.Ltmp0, $4  }
0x8: {  	s9 =	simm.s32 @!p0 $0x0;
	p0 =	sne.s32 s7, s6;
	s7 =	simm.s32 $0x1  }
0x9: {  	s8 =	sadd.s32 $0x18600, s8;
	s6 =	simm.s32 $0x2;
	s7 =	simm.s32 @!p0 $0x0  }
0xa: {  	s11 =	smov.u32 s4;
	[sflag:s6] =	ssyncpa.u1 $0x0;
	s7 =	sadd.s32 s9, s7  }
0xb: {  	vm0 =	vmmov $0xffff;
	[sflag:s10] =	ssyncpa.u1 $0x0;
	s10 =	simm.s32 $0x0;
	s9 =	sadd.s32 $0x1, s7  }
.LBB2_4:
0xc: {  	v2 =	vnsel vm1, $0x0, v2  }
0xd: {  	vm1 =	vgt.s32 v0, $0x0;
	v2 =	vmin.u32 v2, $0x2980F  }
0xe: {  	v0 =	vnsel vm1, $0x0, v0  }
0xf: {  	v0 =	vmin.u32 v0, $0x2980F  }
0x10: {  	[tilespmem:s18], [sflag:$0x1] =	stream.indirect_vreg.gather [hbm4b:s2+s10], $0x1, v1, vm0, $0x4038;
	[tilespmem:$0x9C40] =	vst v63  }
0x11: {  	(ifvalue) =	ssetifvalue $0x7FFFFFFF  }
0x12: {  	[tilespmem:s15], [sflag:$0x1] =	stream.indirect_vreg.gather [hbm4b:s2+s10], $0x1, v2, vm0, $0x4038;
	[tilespmem:$0x9C40] =	vst v63  }
0x13: {  	s29 =	sadd.s32 $0x10, s15;
	(ifvalue) =	ssetifvalue $0x7FFFFFFF  }
0x14: {  	[tilespmem:s29], [sflag:$0x1] =	stream.indirect_vreg.gather [hbm4b:s2+s10], $0x1, v0, vm0, $0x4038;
	[tilespmem:$0x9C40] =	vst v63  }
0x15: {  	_ =	swait.ge [sflag:s5], $0x2710  }
0x16: {  	s30 =	sshrl.u32 s13, $0x3;
	[sflag:s5] =	ssyncset.done $0x0  }
0x17: {  	s31 =	sand.u32 $0x7, s13;
	s15 =	sadd.s32 s8, s30;
	[sflag:s5] =	ssyncadd.s32 $0xFFFFD8F0  }
0x18: {  	[hbm4b:s15+s31] =	stream.linear.scatter [tilespmem:s14], [sflag:$0x3], $0x2710, $0x38;
	[tilespmem:$0x9C40] =	vst v63  }
.LBB2_5:
0x19: {  	s15 =	sadd.s32 $0x27100, s11  }
0x1a: {  	p1 =	sgt.s32 s15, $0x2980F  }
0x1b: {  	s15 =	smov.u32 @p1 s4;
	p1 =	sne.s32 s12, s9  }
.Ltmp1:
0x1c: {  	p0 =	slt.u32 s12, $0x2;
	(pc) =	sbr.rel @!p1 .LBB2_6-.Ltmp1, $4  }
0x1d: {  	s14 =	simm.s32 @!p0 $0x3  }
0x1e: {  	_ =	swait.ge @!p0 [sflag:s14], $0x2710  }
0x1f: {  	s16 =	sadd.s32 $0x1, s12;
	s13 =	smov.u32 s11;
	[sflag:s14] =	ssyncset.done @!p0 $0x0  }
0x20: {  	s12 =	smov.u32 s16;
	s11 =	smov.u32 s15;
	[sflag:s14] =	ssyncadd.s32 @!p0 $0xFFFFD8F0  }
.LBB2_1:
0x21: {  	p0 =	sge.u32 s12, s7  }
0x22: {  	s14 =	sxor.u32 @!p0 $0x1, s12  }
0x23: {  	s14 =	smul.u32 @!p0 $0x9C40, s14  }
0x24: {  	s31 =	sadd.s32 $0xFFFFFFFF, s12;
	s15 =	sshrl.u32 @!p0 s11, $0x3  }
0x25: {  	s16 =	sand.u32 @!p0 $0x7, s11;
	s15 =	sadd.s32 @!p0 s3, s15;
	s14 =	sshra.s32 @!p0 s14, $0x2  }
0x26: {  	[tilespmem:s14], [sflag:$0x2] =	stream.linear.gather @!p0 [hbm4b:s15+s16], $0x2710, $0x38;
	[tilespmem:$0x9C40] =	vst v63  }
0x27: {  	p0 =	sge.u32 s31, s7  }
.Ltmp2:
0x28: {  	_ = 	snop;
	(pc) =	sbr.rel @p0 .LBB2_5-.Ltmp2, $1  }
0x29: {  	_ =	sdelay $0x3  }
0x2a: {  	s14 =	sand.u32 $0x1, s12  }
0x2b: {  	_ =	swait.ge [sflag:s6], $0x2710;
	p0 =	seq.s32 s14, $0x1;
	s14 =	simm.s32 $0x2710  }
0x2c: {  	[sflag:s6] =	ssyncset.done $0x0;
	s14 =	simm.s32 @!p0 $0x0  }
0x2d: {  	[sflag:s6] =	ssyncadd.s32 $0xFFFFD8F0;
	(ifvalue) =	ssetifvalue $0x7FFFFFFF;
	v0 =	vld.msk [tilespmem:s14+$0x0 ss:$0x1], $0xffff;
	_ =	sdelay $0x4  }
0x2e: {  	s15 =	sadd.s32 $0x10, s14;
	vm1 =	vgt.s32 v0, $0x0  }
0x2f: {  	v2 =	vld.msk [tilespmem:s15+$0x0 ss:$0x1], $0xffff;
	v1 =	vnsel vm1, $0x0, v0  }
0x30: {  	v1 =	vmin.u32 v1, $0x2980F;
	_ =	sdelay $0x2  }
0x31: {  	s17 =	simm.s32 $0x20;
	s14 =	sadd.s32 $0x4E20, s14;
	s16 =	sadd.s32 $0x10, s15  }
0x32: {  	s15 =	sadd.s32 $0x10, s14;
	s18 =	smov.u32 s14;
	v0 =	vld.msk [tilespmem:s16+$0x0 ss:$0x1], $0xffff;
	vm1 =	vgt.s32 v2, $0x0;
	(ifvalue) =	ssetifvalue $0x7FFFFFFF  }
.LBB2_3:
0x33: {  	[tilespmem:s18], [sflag:$0x1] =	stream.indirect_vreg.gather [hbm4b:s2+s10], $0x1, v1, vm0, $0x4038;
	[tilespmem:$0x9C40] =	vst v63  }
0x34: {  	s17 =	sadd.s32 $0x10, s17  }
0x35: {  	v2 =	vnsel vm1, $0x0, v2;
	p0 =	slt.u32 s17, $0x2700  }
.Ltmp3:
0x36: {  	s18 =	smov.u32 s15;
	v1 =	vmin.u32 v2, $0x2980F;
	(pc) =	sbr.rel @p0 .LBB2_3-.Ltmp3, $3  }
0x37: {  	_ =	sdelay $0x1  }
0x38: {  	s16 =	sadd.s32 $0x10, s16  }
0x39: {  	vm1 =	vgt.s32 v0, $0x0;
	s15 =	sadd.s32 $0x10, s15;
	v2 =	vmov v0;
	(ifvalue) =	ssetifvalue $0x7FFFFFFF;
	v0 =	vld.msk [tilespmem:s16+$0x0 ss:$0x1], $0xffff  }
.Ltmp4:
0x3a: {  	_ = 	snop;
	(pc) =	sbr.rel .LBB2_4-.Ltmp4, $1  }
0x3b: {  	_ =	sdelay $0x3  }
.LBB2_6:
0x3c: {  	_ =	sfence.sel $0x180000  }
0x3d: {  	s2 =	simm.s32 $0x2;
	[bflag:$0x0] =	sbarrier.arrive $0xFFFF  }
0x3e: {  	s30 =	simm.s32 $0x3;
	[sflag:s2] =	ssyncpa.u1 $0x1  }
0x3f: {  	s31 =	simm.s32 $0x1;
	[sflag:s30] =	ssyncpa.u1 $0x1  }
0x40: {  	[sflag:s31] =	ssyncpa.u1 $0x1  }
0x41: {  	p0 =	sne.s32 s1, $0x0;
	_ =	strace $0x90000053  }
0x42: {  	s0 =	sadd.s32 @!p0 $0x100000, s0;
	[bflag:$0x2] =	sbarrier.arrive $0xFFFF  }
0x43: {  	[sflag:s0] =	ssyncadd.tile.s32 @!p0 $0x1;
	_ =	shalt  }
.Lfunc_end2:
_tile_overlayer_lowered:
.L_overlay_start_2:
0x44: {  	(tag) =	ssettag $0x2  }
0x45: {  	s0 =	rddreg [dreg:$0x0];
	s2 =	stileid.u32  }
0x46: {  	s1 =	rddreg [dreg:$0x1];
	p0 =	sne.s32 s2, $0x0  }
0x47: {  	s3 =	rddreg [dreg:$0x2];
	[bflag:$0x3] =	sbarrier.arrive $0xFFFF;
	s2 =	simm.s32 @!p0 $0x1C01  }
0x48: {  	[timem:s3], [sflag:s2] =	dma.local @!p0 [hbm:s0], s1  }
0x49: {  	s0 =	simm.s32 @!p0 $0x1  }
0x4a: {  	_ =	swait.ge @!p0 [sflag:s0], s1  }
0x4b: {  	s1 =	ssub.s32 @!p0 $0x0, s1;
	[sflag:s0] =	ssyncset.done @!p0 $0x0  }
0x4c: {  	[sflag:s0] =	ssyncadd.s32 @!p0 s1  }
0x4d: {  	[bflag:$0x3] =	sbarrier.arrive $0xFFFF  }
0x4e: {  	_ =	shalt  }

// kernel: scatter_offload_async_start.1
scs
__scs_entry_jumppad:
0x0: {  	(pc) =	sbr.rel $0x88, $3  }
0x1: {  	(tag) =	ssettag $0x0;
	lr =	simm.s32 $0x1  }
0x2: {  	[smem:$0x3F9F] =	sst lr;
	_ =	strace $0xD0000000  }
0x3: {  	_ = 	snop  }
0x4: {  	_ = 	snop  }
0x5: {  	_ = 	snop  }
0x6: {  	_ = 	snop  }
0x7: {  	_ = 	snop  }
__scs_overlays_trampoline_lowered:
0x8: {  	[smem:$0x3FAE] =	sst s0  }
0x9: {  	[smem:$0x3FAF] =	sst s1  }
0xa: {  	[smem:$0x3FB0] =	sst s2  }
0xb: {  	[smem:$0x3FB1] =	sst s3  }
0xc: {  	[smem:$0x3FB2] =	sst s4  }
0xd: {  	[smem:$0x3FB3] =	sst s5  }
0xe: {  	[smem:$0x3FB4] =	sst s6  }
0xf: {  	[smem:$0x3FB5] =	sst s7  }
0x10: {  	[smem:$0x3FB6] =	sst s8  }
0x11: {  	[smem:$0x3FB7] =	sst s9;
	s0 =	simm.s32 @!p0 $0x0  }
0x12: {  	s1 =	sld [smem:$0x3F9D];
	s0 =	simm.s32 @p0 $0x1  }
0x13: {  	[smem:$0x3FB8] =	sst s0;
	s0 =	simm.s32 @!p1 $0x0  }
0x14: {  	s2 =	sld [smem:$0x3F9C];
	s0 =	simm.s32 @p1 $0x1  }
0x15: {  	[smem:$0x3FB9] =	sst s0;
	s0 =	simm.s32 @!p2 $0x0  }
0x16: {  	s3 =	sld [smem:$0x3FDB];
	s0 =	simm.s32 @p2 $0x1  }
0x17: {  	s4 =	simm.s32 $0x1BF5;
	[smem:$0x3FBB] =	sst s0  }
0x18: {  	s0 =	sld [smem:$0x3F9E];
	_ =	swait.ge [sflag:s4], $0x0  }
0x19: {  	s7 =	sld [smem:$0x3F9F]  }
0x1a: {  	s8 =	sadd.s32 $0xFFFFE003, lr  }
0x1b: {  	s9 =	sadd.s32 $0xFFFFFEF7, lr;
	s5 =	simm.s32 $0xFFFFFFFF;
	p2 =	slt.u32 s8, $0xFFFFF086  }
0x1c: {  	p1 =	slt.u32 s9, $0xF7A;
	s5 =	simm.s32 @!p2 $0x0  }
0x1d: {  	s5 =	simm.s32 @p1 $0x1;
	p0 =	seq.s32 s7, s2  }
0x1e: {  	s7 =	smul.u32 @!p0 $0xF7A, s2;
	p2 =	seq.s32 @!p0 s5, $0x0  }
0x1f: {  	s9 =	smul.u32 $0xF7A, s1;
	s8 =	simm.s32 @!p0 $0x1BF5;
	p2 =	por !p2, p0  }
0x20: {  	[sflag:s8] =	ssyncset.s32 @!p0 $0xFFFFF086;
	s6 =	sadd.s32 @!p0 s3, s7;
	s7 =	simm.s32 @!p0 $0x108  }
0x21: {  	s3 =	sadd.s32 s3, s9;
	s6 =	sadd.s32 @!p0 $0x88, s6;
	s7 =	simm.s32 @p2 $0x1082  }
0x22: {  	[simem:s7], [sflag:s8] =	dma.local @!p0 [hbm:s6], $0xF7A  }
0x23: {  	s9 =	sor.u32 $0xD0000000, s2;
	s6 =	simm.s32 $0x108;
	_ =	swait.ge @!p0 [sflag:s8], $0x0  }
0x24: {  	s3 =	sadd.s32 $0x88, s3;
	s6 =	simm.s32 @!p1 $0x1082;
	[sflag:s4] =	ssyncset.s32 $0xFFFFF086  }
0x25: {  	[simem:s6], [sflag:s4] =	dma.local [hbm:s3], $0xF7A  }
0x26: {  	[smem:$0x3F9F] =	sst s1;
	(tag) =	ssettag s2;
	_ =	strace s9  }
0x27: {  	s1 =	sld [smem:$0x3FAF]  }
0x28: {  	s2 =	sld [smem:$0x3FB0]  }
0x29: {  	s4 =	sld [smem:$0x3FB2]  }
0x2a: {  	p0 =	seq.s32 s5, $0x0;
	s5 =	sld [smem:$0x3FB3]  }
0x2b: {  	s6 =	sld [smem:$0x3FB4]  }
0x2c: {  	s7 =	sld [smem:$0x3FB5]  }
0x2d: {  	s3 =	simm.s32 $0x108;
	s8 =	sld [smem:$0x3FB6]  }
0x2e: {  	s3 =	simm.s32 @!p0 $0x1082;
	s9 =	sld [smem:$0x3FB7]  }
0x2f: {  	lr =	sadd.s32 s0, s3;
	s0 =	sld [smem:$0x3FAE]  }
0x30: {  	s3 =	sld [smem:$0x3FB1]  }
0x31: {  	[smem:$0x3FBA] =	sst s10  }
0x32: {  	s10 =	sld [smem:$0x3FB8];
	_ =	sdelay $0x3  }
0x33: {  	p0 =	seq.s32 s10, $0x1;
	s10 =	sld [smem:$0x3FBA];
	_ =	sdelay $0x3  }
0x34: {  	[smem:$0x3FBA] =	sst s10  }
0x35: {  	s10 =	sld [smem:$0x3FB9];
	_ =	sdelay $0x3  }
0x36: {  	p1 =	seq.s32 s10, $0x1;
	s10 =	sld [smem:$0x3FBA];
	_ =	sdelay $0x3  }
0x37: {  	[smem:$0x3FBA] =	sst s10  }
0x38: {  	s10 =	sld [smem:$0x3FBB]  }
0x39: {  	_ = 	snop;
	(pc) =	sbr.ind lr, $3  }
0x3a: {  	_ = 	snop  }
0x3b: {  	_ = 	snop  }
0x3c: {  	p2 =	seq.s32 s10, $0x1;
	s10 =	sld [smem:$0x3FBA]  }
0x3d: {  	_ =	shalt  }
0x3e: {  	_ =	shalt  }
0x3f: {  	_ =	shalt  }
0x40: {  	_ =	shalt  }
0x41: {  	_ =	shalt  }
0x42: {  	_ =	shalt  }
0x43: {  	_ =	shalt  }
0x44: {  	_ =	shalt  }
0x45: {  	_ =	shalt  }
0x46: {  	_ =	shalt  }
0x47: {  	_ =	shalt  }
0x48: {  	_ =	shalt  }
0x49: {  	_ =	shalt  }
0x4a: {  	_ =	shalt  }
0x4b: {  	_ =	shalt  }
0x4c: {  	_ =	shalt  }
0x4d: {  	_ =	shalt  }
0x4e: {  	_ =	shalt  }
0x4f: {  	_ =	shalt  }
0x50: {  	_ =	shalt  }
0x51: {  	_ =	shalt  }
0x52: {  	_ =	shalt  }
0x53: {  	_ =	shalt  }
0x54: {  	_ =	shalt  }
0x55: {  	_ =	shalt  }
0x56: {  	_ =	shalt  }
0x57: {  	_ =	shalt  }
0x58: {  	_ =	shalt  }
0x59: {  	_ =	shalt  }
0x5a: {  	_ =	shalt  }
0x5b: {  	_ =	shalt  }
0x5c: {  	_ =	shalt  }
0x5d: {  	_ =	shalt  }
0x5e: {  	_ =	shalt  }
0x5f: {  	_ =	shalt  }
0x60: {  	_ =	shalt  }
0x61: {  	_ =	shalt  }
0x62: {  	_ =	shalt  }
0x63: {  	_ =	shalt  }
0x64: {  	_ =	shalt  }
0x65: {  	_ =	shalt  }
0x66: {  	_ =	shalt  }
0x67: {  	_ =	shalt  }
0x68: {  	_ =	shalt  }
0x69: {  	_ =	shalt  }
0x6a: {  	_ =	shalt  }
0x6b: {  	_ =	shalt  }
0x6c: {  	_ =	shalt  }
0x6d: {  	_ =	shalt  }
0x6e: {  	_ =	shalt  }
0x6f: {  	_ =	shalt  }
0x70: {  	_ =	shalt  }
0x71: {  	_ =	shalt  }
0x72: {  	_ =	shalt  }
0x73: {  	_ =	shalt  }
0x74: {  	_ =	shalt  }
0x75: {  	_ =	shalt  }
0x76: {  	_ =	shalt  }
0x77: {  	_ =	shalt  }
0x78: {  	_ =	shalt  }
0x79: {  	_ =	shalt  }
0x7a: {  	_ =	shalt  }
0x7b: {  	_ =	shalt  }
0x7c: {  	_ =	shalt  }
0x7d: {  	_ =	shalt  }
0x7e: {  	_ =	shalt  }
0x7f: {  	_ =	shalt  }
0x80: {  	_ =	shalt  }
0x81: {  	_ =	shalt  }
0x82: {  	_ =	shalt  }
0x83: {  	_ =	shalt  }
0x84: {  	_ =	shalt  }
0x85: {  	_ =	shalt  }
0x86: {  	_ =	shalt  }
0x87: {  	_ =	shalt  }
.Lfunc_end0:
.L_simem_size_0:
called_computation.1_lowered:
.L_overlay_start_0:
0x88: {  	s0 =	sld [smem:$0x3FD9]  }
0x89: {  	s1 =	sld [smem:$0x3FFE];
	_ =	sdelay $0x3  }
0x8a: {  	s0 =	sadd.s32 s1, s0  }
0x8b: {  	[smem:$0x3FC6] =	sst s0  }
0x8c: {  	_ = 	snop  }
0x8d: {  	(tm) =	ssettm $0x1  }
0x8e: {  	s15 =	sld [smem:$0x3FFB];
	_ =	sdelay $0x3  }
0x8f: {  	_ =	strace s15  }
0x90: {  	s0 =	sld [smem:$0x3FFC];
	_ =	sdelay $0x3  }
0x91: {  	_ =	strace s0  }
0x92: {  	s0 =	sld [smem:$0x3FFD];
	_ =	sdelay $0x3  }
0x93: {  	_ =	strace s0  }
0x94: {  	_ =	strace $0x8FFFFFFF  }
0x95: {  	s16 =	sld [smem:$0x3FDB];
	_ =	sdelay $0x1  }
0x96: {  	s17 =	simm.s32 $_scs_section_size  }
0x97: {  	s2 =	simm.s32 $_size__tile_overlayer_lowered;
	s3 =	simm.s32 $_tile_overlayer_lowered  }
0x98: {  	s20 =	simm.s32 $0x1BFF;
	s19 =	sshll.u32 s3, $0x1;
	s0 =	sadd.s32 s17, s16  }
0x99: {  	s4 =	simm.s32 $0x0;
	s18 =	sshll.u32 s2, $0x1;
	s2 =	sadd.s32 s19, s0  }
0x9a: {  	[timem:s4], [sflag:s20] =	dma.local [hbm:s2], s18  }
0x9b: {  	_ =	swait.ge [sflag:s20], s18  }
0x9c: {  	s1 =	ssub.s32 $0x0, s18;
	[sflag:s20] =	ssyncset.done $0x0  }
0x9d: {  	[sflag:s20] =	ssyncadd.s32 s1;
	_ =	sdelay $0x1  }
0x9e: {  	s21 =	simm.s32 $0x1B8B  }
0x9f: {  	_ =	swait.ge [sflag:s21], $0x1  }
0xa0: {  	[sflag:s21] =	ssyncset.done $0x0  }
0xa1: {  	s23 =	simm.s32 $0x1B8E;
	s22 =	sld [smem:$0x3FFE];
	[sflag:s21] =	ssyncadd.s32 $0xFFFFFFFF  }
0xa2: {  	s24 =	simm.s32 $execute0_lowered;
	[smem:$0x3FD2] =	sst s23  }
0xa3: {  	s2 =	sshll.u32 s24, $0x1;
	_ =	strace $0x8000004F;
	[dreg:$0x1] =	wrdreg $0xFFFFFFFF  }
0xa4: {  	s25 =	simm.s32 $_size_execute0_lowered;
	s0 =	sadd.s32 s0, s2;
	[dreg:$0x0] =	wrdreg $0x0  }
0xa5: {  	s2 =	sshll.u32 s25, $0x1;
	[dreg:$0x2] =	wrdreg s0  }
0xa6: {  	[dreg:$0x3] =	wrdreg s2  }
0xa7: {  	[dreg:$0x4] =	wrdreg $0xC0  }
0xa8: {  	_ =	task [dreg:s4], $0x5FFFF  }
0xa9: {  	[dreg:$0x1] =	wrdreg $0xFFFFFFFF  }
0xaa: {  	[dreg:$0x0] =	wrdreg $0x60  }
0xab: {  	[dreg:$0x2] =	wrdreg s22  }
0xac: {  	[dreg:$0x3] =	wrdreg $0x9  }
0xad: {  	_ =	task.clear_ibuf [dreg:s4], $0x4FFFF;
	_ =	strace $0x9000004F  }
0xae: {  	s26 =	simm.s32 $0x9;
	_ =	strace $0x80000051  }
0xaf: {  	_ =	swait.ge [sflag:s26], $0x1  }
0xb0: {  	[sflag:s26] =	ssyncadd.s32 $0xFFFFFFFF  }
0xb1: {  	_ =	strace $0x90000051  }
0xb2: {  	_ =	sfence  }
0xb3: {  	s28 =	sld [smem:$0x0];
	_ =	sdelay $0x1  }
0xb4: {  	s29 =	srdreg.scid  }
0xb5: {  	s30 =	sshll.u32 s29, $0xD;
	s31 =	sshrl.u32 s29, $0x2  }
0xb6: {  	s1 =	sand.u32 $0x1, s29;
	s2 =	sand.u32 $0x4000, s30;
	s0 =	sadd.s32 s31, s28  }
0xb7: {  	s1 =	sor.u32 s2, s1;
	s0 =	sshll.u32 s0, $0x11  }
0xb8: {  	s0 =	sor.u32 s0, s1  }
0xb9: {  	s0 =	sadd.s32 $0x8F2B, s0  }
0xba: {  	[sflag:s0] =	ssyncadd.remote.s32 $0x1  }
0xbb: {  	_ =	sfence.sel $0xFFFF  }
0xbc: {  	[dreg:$0x0] =	wrdreg $0xFFFFFFFF;
	(pc) =	sbr.abs _section_cstart, $3  }
0xbd: {  	[dreg:$0x1] =	wrdreg $0xFFFFFFFF  }
0xbe: {  	_ =	task.clear_ibuf [dreg:s4], $0x2FFFF;
	_ =	strace $0x9FFFFFFF  }
0xbf: {  	(tm) =	ssettm $0x7FFFFFFF  }
tec
execute0_lowered:
.L_overlay_start_1:
0x0: {  	(tag) =	ssettag $0x1  }
0x1: {  	s2 =	rddreg [dreg:$0x0]  }
0x2: {  	s0 =	rddreg [dreg:$0x1]  }
0x3: {  	_ =	strace $0x80000050;
	s4 =	stileid.u32;
	s5 =	simm.s32 $0x3E  }
0x4: {  	s1 =	sadd.s32 $0x11C00, s2;
	p0 =	sne.s32 s4, $0x0;
	[sflag:s5] =	ssyncpa.u1 $0x0  }
0x5: {  	s30 =	smin.u32 s4, $0x9;
	s3 =	simm.s32 @!p0 $0x1C3E;
	s6 =	simm.s32 @!p0 $0x0  }
0x6: {  	[spmem:s6], [sflag:s3] =	dma.local @!p0 [hbm:s1], $0x7580  }
0x7: {  	s3 =	sadd.s32 s4, s30  }
0x8: {  	p1 =	slt.u32 s4, $0x9;
	s4 =	simm.s32 $0x320;
	s3 =	smul.u32 $0x190, s3  }
0x9: {  	s4 =	simm.s32 @!p1 $0x190  }
0xa: {  	s4 =	sadd.s32 s4, s3  }
0xb: {  	s4 =	smin.u32 s4, $0x2710  }
0xc: {  	s7 =	ssub.s32 s4, s3  }
0xd: {  	p1 =	sgt.s32 s7, $0x0  }
0xe: {  	s7 =	simm.s32 @!p1 $0x0  }
0xf: {  	s8 =	sand.u32 $0xFFF0, s7  }
0x10: {  	s8 =	sshrl.u32 s8, $0x4  }
0x11: {  	s6 =	simm.s32 @!p0 $0x3E;
	s31 =	smul.u32 $0xA3E, s8  }
0x12: {  	_ =	swait.ge @!p0 [sflag:s6], $0x7580  }
0x13: {  	[sflag:s6] =	ssyncset.done @!p0 $0x0;
	s8 =	sshrl.u32 s31, $0x10  }
0x14: {  	s11 =	simm.s32 $0x0;
	[sflag:s6] =	ssyncadd.s32 @!p0 $0xFFFF8A80;
	s9 =	smul.u32 $0x190, s8  }
.Ltmp0:
0x15: {  	s6 =	simm.s32 $0x2;
	[bflag:$0x0] =	sbarrier.arrive $0xFFFF;
	(pc) =	sbr.rel .LBB2_1-.Ltmp0, $4  }
0x16: {  	s10 =	smov.u32 s3;
	[sflag:s5] =	ssyncpa.u1 $0x1;
	s5 =	simm.s32 $0x1  }
0x17: {  	[sflag:s5] =	ssyncpa.u1 $0x0;
	p1 =	sne.s32 s7, s9;
	s9 =	simm.s32 $0x1  }
0x18: {  	(ifvalue) =	ssetifvalue $0x3AC00;
	[sflag:s6] =	ssyncpa.u1 $0x0;
	s9 =	simm.s32 @!p1 $0x0  }
0x19: {  	vm0 =	vmmov $0xffff;
	s7 =	sadd.s32 $0x11600, s2;
	s8 =	sadd.s32 s8, s9;
	s9 =	simm.s32 $0x0  }
.LBB2_5:
0x1a: {  	p2 =	sne.s32 s11, s8  }
.Ltmp1:
0x1b: {  	_ = 	snop;
	(pc) =	sbr.rel @!p2 .LBB2_6-.Ltmp1, $4  }
0x1c: {  	_ = 	snop  }
0x1d: {  	s12 =	sadd.s32 $0x190, s10  }
0x1e: {  	s10 =	smov.u32 s3;
	s13 =	sadd.s32 $0x1, s11;
	p1 =	slt.s32 s12, s4  }
0x1f: {  	s11 =	smov.u32 s13;
	s10 =	smov.u32 @p1 s12  }
.LBB2_1:
0x20: {  	p1 =	sge.u32 s11, s8  }
0x21: {  	s12 =	sxor.u32 @!p1 $0xFFFFFFFF, s11  }
0x22: {  	s12 =	sand.u32 @!p1 $0x1, s12  }
0x23: {  	s12 =	smul.u32 @!p1 $0x190, s12  }
0x24: {  	s13 =	sshrl.u32 @!p1 s10, $0x3  }
0x25: {  	s16 =	sand.u32 @!p1 $0x7, s10;
	s14 =	sadd.s32 @!p1 s7, s13;
	s15 =	sadd.s32 @!p1 $0x3AC0, s12  }
0x26: {  	[tilespmem:s15], [sflag:$0x2] =	stream.linear.gather @!p1 [hbm4b:s14+s16], $0x190, $0x38;
	[tilespmem:$0x4100] =	vst v63  }
0x27: {  	s13 =	sadd.s32 @!p1 s2, s13;
	s12 =	sadd.s32 @!p1 $0x3DE0, s12  }
0x28: {  	[tilespmem:s12], [sflag:$0x2] =	stream.linear.gather @!p1 [hbm4b:s13+s16], $0x190, $0x38;
	[tilespmem:$0x4100] =	vst v63  }
0x29: {  	p1 =	seq.s32 s11, $0x0  }
.Ltmp2:
0x2a: {  	_ = 	snop;
	(pc) =	sbr.rel @p1 .LBB2_5-.Ltmp2, $1  }
0x2b: {  	_ =	sdelay $0x3  }
0x2c: {  	s12 =	sand.u32 $0x1, s11  }
0x2d: {  	_ =	swait.ge [sflag:s6], $0x320;
	p1 =	seq.s32 s12, $0x1;
	s12 =	simm.s32 $0x190  }
0x2e: {  	[sflag:s6] =	ssyncset.done $0x0;
	s12 =	simm.s32 @!p1 $0x0  }
0x2f: {  	[sflag:s6] =	ssyncadd.s32 $0xFFFFFCE0;
	s14 =	sadd.s32 $0x3AC0, s12  }
0x30: {  	v0 =	vld.msk [tilespmem:s14+$0x0 ss:$0x1], $0xffff;
	_ =	sdelay $0x4  }
0x31: {  	v0 =	vmin.u32 v0, $0x3AC00;
	_ =	sdelay $0x3  }
0x32: {  	s13 =	simm.s32 $0x0;
	s12 =	sadd.s32 $0x3DE0, s12;
	s14 =	sadd.s32 $0x10, s14  }
0x33: {  	[spmem:s9] =	stream.indirect_vreg.scatter.add.s32 [tilespmem:s12], [sflag:$0x1], $0x1, v0, vm0, $0x4038;
	[tilespmem:$0x4100] =	vst v63  }
.LBB2_3:
0x34: {  	v0 =	vld.msk [tilespmem:s14+$0x0 ss:$0x1], $0xffff;
	s13 =	sadd.s32 $0x10, s13  }
0x35: {  	p1 =	slt.u32 s13, $0x180;
	_ =	sdelay $0x4  }
0x36: {  	v0 =	vmin.u32 v0, $0x3AC00  }
.Ltmp3:
0x37: {  	(pc) =	sbr.rel @p1 .LBB2_3-.Ltmp3, $3  }
0x38: {  	_ =	sdelay $0x1  }
0x39: {  	s14 =	sadd.s32 $0x10, s14;
	s12 =	sadd.s32 $0x10, s12  }
0x3a: {  	[spmem:s9] =	stream.indirect_vreg.scatter.add.s32 [tilespmem:s12], [sflag:$0x1], $0x1, v0, vm0, $0x4038;
	[tilespmem:$0x4100] =	vst v63  }
.Ltmp4:
0x3b: {  	(pc) =	sbr.rel .LBB2_5-.Ltmp4, $4  }
0x3c: {  	_ = 	snop  }
0x3d: {  	_ =	swait.ge [sflag:s5], $0x190  }
0x3e: {  	[sflag:s5] =	ssyncset.done $0x0  }
0x3f: {  	[sflag:s5] =	ssyncadd.s32 $0xFFFFFE70  }
.LBB2_6:
0x40: {  	_ =	sfence.sel $0x180000  }
0x41: {  	s2 =	simm.s32 $0x2;
	[bflag:$0x0] =	sbarrier.arrive $0xFFFF  }
0x42: {  	s30 =	simm.s32 $0x1;
	[sflag:s2] =	ssyncpa.u1 $0x1  }
0x43: {  	[sflag:s30] =	ssyncpa.u1 $0x1  }
0x44: {  	_ =	sfence.stream.spmem  }
0x45: {  	s31 =	simm.s32 $0x3D;
	[bflag:$0x0] =	sbarrier.arrive $0xFFFF  }
0x46: {  	s2 =	simm.s32 @p0 $0x3D;
	[sflag:s31] =	ssyncpa.u1 $0x0  }
0x47: {  	[sflag:s2] =	ssyncpa.u1 @p0 $0x1  }
0x48: {  	[bflag:$0x0] =	sbarrier.arrive @p0 $0xFFFF  }
0x49: {  	_ =	strace @p0 $0x90000050  }
0x4a: {  	s3 =	simm.s32 @!p0 $0x1C3D;
	s2 =	simm.s32 @!p0 $0x0;
	[bflag:$0x2] =	sbarrier.arrive @p0 $0xFFFF  }
0x4b: {  	[hbm:s1], [sflag:s3] =	dma.local @!p0 [spmem:s2], $0x7580  }
0x4c: {  	s1 =	simm.s32 @!p0 $0x3D  }
0x4d: {  	_ =	swait.ge @!p0 [sflag:s1], $0x7580  }
0x4e: {  	[sflag:s1] =	ssyncset.done @!p0 $0x0  }
0x4f: {  	[sflag:s1] =	ssyncadd.s32 @!p0 $0xFFFF8A80  }
0x50: {  	[sflag:s1] =	ssyncpa.u1 @!p0 $0x1  }
0x51: {  	[bflag:$0x0] =	sbarrier.arrive @!p0 $0xFFFF  }
0x52: {  	_ =	strace @!p0 $0x90000050  }
0x53: {  	s0 =	sadd.s32 @!p0 $0x100000, s0;
	[bflag:$0x2] =	sbarrier.arrive @!p0 $0xFFFF  }
0x54: {  	[sflag:s0] =	ssyncadd.tile.s32 @!p0 $0x1;
	_ =	shalt  }
.Lfunc_end2:
_tile_overlayer_lowered:
.L_overlay_start_2:
0x55: {  	(tag) =	ssettag $0x2  }
0x56: {  	s0 =	rddreg [dreg:$0x0];
	s2 =	stileid.u32  }
0x57: {  	s1 =	rddreg [dreg:$0x1];
	p0 =	sne.s32 s2, $0x0  }
0x58: {  	s3 =	rddreg [dreg:$0x2];
	[bflag:$0x3] =	sbarrier.arrive $0xFFFF;
	s2 =	simm.s32 @!p0 $0x1C01  }
0x59: {  	[timem:s3], [sflag:s2] =	dma.local @!p0 [hbm:s0], s1  }
0x5a: {  	s0 =	simm.s32 @!p0 $0x1  }
0x5b: {  	_ =	swait.ge @!p0 [sflag:s0], s1  }
0x5c: {  	s1 =	ssub.s32 @!p0 $0x0, s1;
	[sflag:s0] =	ssyncset.done @!p0 $0x0  }
0x5d: {  	[sflag:s0] =	ssyncadd.s32 @!p0 s1  }
0x5e: {  	[bflag:$0x3] =	sbarrier.arrive $0xFFFF  }
0x5f: {  	_ =	shalt  }

// kernel: scatter_offload_async_start.2
scs
__scs_entry_jumppad:
0x0: {  	(pc) =	sbr.rel $0x88, $3  }
0x1: {  	(tag) =	ssettag $0x0;
	lr =	simm.s32 $0x1  }
0x2: {  	[smem:$0x3F9F] =	sst lr;
	_ =	strace $0xD0000000  }
0x3: {  	_ = 	snop  }
0x4: {  	_ = 	snop  }
0x5: {  	_ = 	snop  }
0x6: {  	_ = 	snop  }
0x7: {  	_ = 	snop  }
__scs_overlays_trampoline_lowered:
0x8: {  	[smem:$0x3FAE] =	sst s0  }
0x9: {  	[smem:$0x3FAF] =	sst s1  }
0xa: {  	[smem:$0x3FB0] =	sst s2  }
0xb: {  	[smem:$0x3FB1] =	sst s3  }
0xc: {  	[smem:$0x3FB2] =	sst s4  }
0xd: {  	[smem:$0x3FB3] =	sst s5  }
0xe: {  	[smem:$0x3FB4] =	sst s6  }
0xf: {  	[smem:$0x3FB5] =	sst s7  }
0x10: {  	[smem:$0x3FB6] =	sst s8  }
0x11: {  	[smem:$0x3FB7] =	sst s9;
	s0 =	simm.s32 @!p0 $0x0  }
0x12: {  	s1 =	sld [smem:$0x3F9D];
	s0 =	simm.s32 @p0 $0x1  }
0x13: {  	[smem:$0x3FB8] =	sst s0;
	s0 =	simm.s32 @!p1 $0x0  }
0x14: {  	s2 =	sld [smem:$0x3F9C];
	s0 =	simm.s32 @p1 $0x1  }
0x15: {  	[smem:$0x3FB9] =	sst s0;
	s0 =	simm.s32 @!p2 $0x0  }
0x16: {  	s3 =	sld [smem:$0x3FDB];
	s0 =	simm.s32 @p2 $0x1  }
0x17: {  	s4 =	simm.s32 $0x1BF5;
	[smem:$0x3FBB] =	sst s0  }
0x18: {  	s0 =	sld [smem:$0x3F9E];
	_ =	swait.ge [sflag:s4], $0x0  }
0x19: {  	s7 =	sld [smem:$0x3F9F]  }
0x1a: {  	s8 =	sadd.s32 $0xFFFFE003, lr  }
0x1b: {  	s9 =	sadd.s32 $0xFFFFFEF7, lr;
	s5 =	simm.s32 $0xFFFFFFFF;
	p2 =	slt.u32 s8, $0xFFFFF086  }
0x1c: {  	p1 =	slt.u32 s9, $0xF7A;
	s5 =	simm.s32 @!p2 $0x0  }
0x1d: {  	s5 =	simm.s32 @p1 $0x1;
	p0 =	seq.s32 s7, s2  }
0x1e: {  	s7 =	smul.u32 @!p0 $0xF7A, s2;
	p2 =	seq.s32 @!p0 s5, $0x0  }
0x1f: {  	s9 =	smul.u32 $0xF7A, s1;
	s8 =	simm.s32 @!p0 $0x1BF5;
	p2 =	por !p2, p0  }
0x20: {  	[sflag:s8] =	ssyncset.s32 @!p0 $0xFFFFF086;
	s6 =	sadd.s32 @!p0 s3, s7;
	s7 =	simm.s32 @!p0 $0x108  }
0x21: {  	s3 =	sadd.s32 s3, s9;
	s6 =	sadd.s32 @!p0 $0x88, s6;
	s7 =	simm.s32 @p2 $0x1082  }
0x22: {  	[simem:s7], [sflag:s8] =	dma.local @!p0 [hbm:s6], $0xF7A  }
0x23: {  	s9 =	sor.u32 $0xD0000000, s2;
	s6 =	simm.s32 $0x108;
	_ =	swait.ge @!p0 [sflag:s8], $0x0  }
0x24: {  	s3 =	sadd.s32 $0x88, s3;
	s6 =	simm.s32 @!p1 $0x1082;
	[sflag:s4] =	ssyncset.s32 $0xFFFFF086  }
0x25: {  	[simem:s6], [sflag:s4] =	dma.local [hbm:s3], $0xF7A  }
0x26: {  	[smem:$0x3F9F] =	sst s1;
	(tag) =	ssettag s2;
	_ =	strace s9  }
0x27: {  	s1 =	sld [smem:$0x3FAF]  }
0x28: {  	s2 =	sld [smem:$0x3FB0]  }
0x29: {  	s4 =	sld [smem:$0x3FB2]  }
0x2a: {  	p0 =	seq.s32 s5, $0x0;
	s5 =	sld [smem:$0x3FB3]  }
0x2b: {  	s6 =	sld [smem:$0x3FB4]  }
0x2c: {  	s7 =	sld [smem:$0x3FB5]  }
0x2d: {  	s3 =	simm.s32 $0x108;
	s8 =	sld [smem:$0x3FB6]  }
0x2e: {  	s3 =	simm.s32 @!p0 $0x1082;
	s9 =	sld [smem:$0x3FB7]  }
0x2f: {  	lr =	sadd.s32 s0, s3;
	s0 =	sld [smem:$0x3FAE]  }
0x30: {  	s3 =	sld [smem:$0x3FB1]  }
0x31: {  	[smem:$0x3FBA] =	sst s10  }
0x32: {  	s10 =	sld [smem:$0x3FB8];
	_ =	sdelay $0x3  }
0x33: {  	p0 =	seq.s32 s10, $0x1;
	s10 =	sld [smem:$0x3FBA];
	_ =	sdelay $0x3  }
0x34: {  	[smem:$0x3FBA] =	sst s10  }
0x35: {  	s10 =	sld [smem:$0x3FB9];
	_ =	sdelay $0x3  }
0x36: {  	p1 =	seq.s32 s10, $0x1;
	s10 =	sld [smem:$0x3FBA];
	_ =	sdelay $0x3  }
0x37: {  	[smem:$0x3FBA] =	sst s10  }
0x38: {  	s10 =	sld [smem:$0x3FBB]  }
0x39: {  	_ = 	snop;
	(pc) =	sbr.ind lr, $3  }
0x3a: {  	_ = 	snop  }
0x3b: {  	_ = 	snop  }
0x3c: {  	p2 =	seq.s32 s10, $0x1;
	s10 =	sld [smem:$0x3FBA]  }
0x3d: {  	_ =	shalt  }
0x3e: {  	_ =	shalt  }
0x3f: {  	_ =	shalt  }
0x40: {  	_ =	shalt  }
0x41: {  	_ =	shalt  }
0x42: {  	_ =	shalt  }
0x43: {  	_ =	shalt  }
0x44: {  	_ =	shalt  }
0x45: {  	_ =	shalt  }
0x46: {  	_ =	shalt  }
0x47: {  	_ =	shalt  }
0x48: {  	_ =	shalt  }
0x49: {  	_ =	shalt  }
0x4a: {  	_ =	shalt  }
0x4b: {  	_ =	shalt  }
0x4c: {  	_ =	shalt  }
0x4d: {  	_ =	shalt  }
0x4e: {  	_ =	shalt  }
0x4f: {  	_ =	shalt  }
0x50: {  	_ =	shalt  }
0x51: {  	_ =	shalt  }
0x52: {  	_ =	shalt  }
0x53: {  	_ =	shalt  }
0x54: {  	_ =	shalt  }
0x55: {  	_ =	shalt  }
0x56: {  	_ =	shalt  }
0x57: {  	_ =	shalt  }
0x58: {  	_ =	shalt  }
0x59: {  	_ =	shalt  }
0x5a: {  	_ =	shalt  }
0x5b: {  	_ =	shalt  }
0x5c: {  	_ =	shalt  }
0x5d: {  	_ =	shalt  }
0x5e: {  	_ =	shalt  }
0x5f: {  	_ =	shalt  }
0x60: {  	_ =	shalt  }
0x61: {  	_ =	shalt  }
0x62: {  	_ =	shalt  }
0x63: {  	_ =	shalt  }
0x64: {  	_ =	shalt  }
0x65: {  	_ =	shalt  }
0x66: {  	_ =	shalt  }
0x67: {  	_ =	shalt  }
0x68: {  	_ =	shalt  }
0x69: {  	_ =	shalt  }
0x6a: {  	_ =	shalt  }
0x6b: {  	_ =	shalt  }
0x6c: {  	_ =	shalt  }
0x6d: {  	_ =	shalt  }
0x6e: {  	_ =	shalt  }
0x6f: {  	_ =	shalt  }
0x70: {  	_ =	shalt  }
0x71: {  	_ =	shalt  }
0x72: {  	_ =	shalt  }
0x73: {  	_ =	shalt  }
0x74: {  	_ =	shalt  }
0x75: {  	_ =	shalt  }
0x76: {  	_ =	shalt  }
0x77: {  	_ =	shalt  }
0x78: {  	_ =	shalt  }
0x79: {  	_ =	shalt  }
0x7a: {  	_ =	shalt  }
0x7b: {  	_ =	shalt  }
0x7c: {  	_ =	shalt  }
0x7d: {  	_ =	shalt  }
0x7e: {  	_ =	shalt  }
0x7f: {  	_ =	shalt  }
0x80: {  	_ =	shalt  }
0x81: {  	_ =	shalt  }
0x82: {  	_ =	shalt  }
0x83: {  	_ =	shalt  }
0x84: {  	_ =	shalt  }
0x85: {  	_ =	shalt  }
0x86: {  	_ =	shalt  }
0x87: {  	_ =	shalt  }
.Lfunc_end0:
.L_simem_size_0:
called_computation.2_lowered:
.L_overlay_start_0:
0x88: {  	s0 =	sld [smem:$0x3FD9]  }
0x89: {  	s1 =	sld [smem:$0x3FFE];
	_ =	sdelay $0x3  }
0x8a: {  	s0 =	sadd.s32 s1, s0  }
0x8b: {  	[smem:$0x3FC6] =	sst s0  }
0x8c: {  	_ = 	snop  }
0x8d: {  	(tm) =	ssettm $0x1  }
0x8e: {  	s15 =	sld [smem:$0x3FFB];
	_ =	sdelay $0x3  }
0x8f: {  	_ =	strace s15  }
0x90: {  	s0 =	sld [smem:$0x3FFC];
	_ =	sdelay $0x3  }
0x91: {  	_ =	strace s0  }
0x92: {  	s0 =	sld [smem:$0x3FFD];
	_ =	sdelay $0x3  }
0x93: {  	_ =	strace s0  }
0x94: {  	_ =	strace $0x8FFFFFFF  }
0x95: {  	s16 =	sld [smem:$0x3FDB];
	_ =	sdelay $0x1  }
0x96: {  	s17 =	simm.s32 $_scs_section_size  }
0x97: {  	s2 =	simm.s32 $_size__tile_overlayer_lowered;
	s3 =	simm.s32 $_tile_overlayer_lowered  }
0x98: {  	s20 =	simm.s32 $0x1BFF;
	s19 =	sshll.u32 s3, $0x1;
	s0 =	sadd.s32 s17, s16  }
0x99: {  	s4 =	simm.s32 $0x0;
	s18 =	sshll.u32 s2, $0x1;
	s2 =	sadd.s32 s19, s0  }
0x9a: {  	[timem:s4], [sflag:s20] =	dma.local [hbm:s2], s18  }
0x9b: {  	_ =	swait.ge [sflag:s20], s18  }
0x9c: {  	s1 =	ssub.s32 $0x0, s18;
	[sflag:s20] =	ssyncset.done $0x0  }
0x9d: {  	[sflag:s20] =	ssyncadd.s32 s1;
	_ =	sdelay $0x1  }
0x9e: {  	s21 =	simm.s32 $0x1B8B  }
0x9f: {  	_ =	swait.ge [sflag:s21], $0x1  }
0xa0: {  	[sflag:s21] =	ssyncset.done $0x0  }
0xa1: {  	s23 =	simm.s32 $0x1B8E;
	s22 =	sld [smem:$0x3FFE];
	[sflag:s21] =	ssyncadd.s32 $0xFFFFFFFF  }
0xa2: {  	s24 =	simm.s32 $execute0_lowered;
	[smem:$0x3FD2] =	sst s23  }
0xa3: {  	s2 =	sshll.u32 s24, $0x1;
	_ =	strace $0x80000055;
	[dreg:$0x1] =	wrdreg $0xFFFFFFFF  }
0xa4: {  	s25 =	simm.s32 $_size_execute0_lowered;
	s0 =	sadd.s32 s0, s2;
	[dreg:$0x0] =	wrdreg $0x0  }
0xa5: {  	s2 =	sshll.u32 s25, $0x1;
	[dreg:$0x2] =	wrdreg s0  }
0xa6: {  	[dreg:$0x3] =	wrdreg s2  }
0xa7: {  	[dreg:$0x4] =	wrdreg $0xC0  }
0xa8: {  	_ =	task [dreg:s4], $0x5FFFF  }
0xa9: {  	[dreg:$0x1] =	wrdreg $0xFFFFFFFF  }
0xaa: {  	[dreg:$0x0] =	wrdreg $0x60  }
0xab: {  	[dreg:$0x2] =	wrdreg s22  }
0xac: {  	[dreg:$0x3] =	wrdreg $0x9  }
0xad: {  	_ =	task.clear_ibuf [dreg:s4], $0x4FFFF;
	_ =	strace $0x90000055  }
0xae: {  	s26 =	simm.s32 $0x9;
	_ =	strace $0x80000057  }
0xaf: {  	_ =	swait.ge [sflag:s26], $0x1  }
0xb0: {  	[sflag:s26] =	ssyncadd.s32 $0xFFFFFFFF  }
0xb1: {  	_ =	strace $0x90000057  }
0xb2: {  	_ =	sfence  }
0xb3: {  	s28 =	sld [smem:$0x0];
	_ =	sdelay $0x1  }
0xb4: {  	s29 =	srdreg.scid  }
0xb5: {  	s30 =	sshll.u32 s29, $0xD;
	s31 =	sshrl.u32 s29, $0x2  }
0xb6: {  	s1 =	sand.u32 $0x1, s29;
	s2 =	sand.u32 $0x4000, s30;
	s0 =	sadd.s32 s31, s28  }
0xb7: {  	s1 =	sor.u32 s2, s1;
	s0 =	sshll.u32 s0, $0x11  }
0xb8: {  	s0 =	sor.u32 s0, s1  }
0xb9: {  	s0 =	sadd.s32 $0x8F2B, s0  }
0xba: {  	[sflag:s0] =	ssyncadd.remote.s32 $0x1  }
0xbb: {  	_ =	sfence.sel $0xFFFF  }
0xbc: {  	[dreg:$0x0] =	wrdreg $0xFFFFFFFF;
	(pc) =	sbr.abs _section_cstart, $3  }
0xbd: {  	[dreg:$0x1] =	wrdreg $0xFFFFFFFF  }
0xbe: {  	_ =	task.clear_ibuf [dreg:s4], $0x2FFFF;
	_ =	strace $0x9FFFFFFF  }
0xbf: {  	(tm) =	ssettm $0x7FFFFFFF  }
tec
execute0_lowered:
.L_overlay_start_1:
0x0: {  	(tag) =	ssettag $0x1  }
0x1: {  	s2 =	rddreg [dreg:$0x0]  }
0x2: {  	s0 =	rddreg [dreg:$0x1]  }
0x3: {  	_ =	strace $0x80000056;
	s4 =	stileid.u32;
	s5 =	simm.s32 $0x3E  }
0x4: {  	s1 =	sadd.s32 $0x600, s2;
	p0 =	sne.s32 s4, $0x0;
	[sflag:s5] =	ssyncpa.u1 $0x0  }
0x5: {  	s30 =	smin.u32 s4, $0x9;
	s3 =	simm.s32 @!p0 $0x1C3E;
	s6 =	simm.s32 @!p0 $0x0  }
0x6: {  	[spmem:s6], [sflag:s3] =	dma.local @!p0 [hbm:s1], $0xF00  }
0x7: {  	s3 =	sadd.s32 s4, s30  }
0x8: {  	p1 =	slt.u32 s4, $0x9;
	s4 =	simm.s32 $0x320;
	s3 =	smul.u32 $0x190, s3  }
0x9: {  	s4 =	simm.s32 @!p1 $0x190  }
0xa: {  	s4 =	sadd.s32 s4, s3  }
0xb: {  	s4 =	smin.u32 s4, $0x2710  }
0xc: {  	s7 =	ssub.s32 s4, s3  }
0xd: {  	p1 =	sgt.s32 s7, $0x0  }
0xe: {  	s7 =	simm.s32 @!p1 $0x0  }
0xf: {  	s8 =	sand.u32 $0xFFF0, s7  }
0x10: {  	s8 =	sshrl.u32 s8, $0x4  }
0x11: {  	s6 =	simm.s32 @!p0 $0x3E;
	s31 =	smul.u32 $0xA3E, s8  }
0x12: {  	_ =	swait.ge @!p0 [sflag:s6], $0xF00  }
0x13: {  	[sflag:s6] =	ssyncset.done @!p0 $0x0;
	s8 =	sshrl.u32 s31, $0x10  }
0x14: {  	s11 =	simm.s32 $0x0;
	[sflag:s6] =	ssyncadd.s32 @!p0 $0xFFFFF100;
	s9 =	smul.u32 $0x190, s8  }
.Ltmp0:
0x15: {  	s6 =	simm.s32 $0x2;
	[bflag:$0x0] =	sbarrier.arrive $0xFFFF;
	(pc) =	sbr.rel .LBB2_1-.Ltmp0, $4  }
0x16: {  	s10 =	smov.u32 s3;
	[sflag:s5] =	ssyncpa.u1 $0x1;
	s5 =	simm.s32 $0x1  }
0x17: {  	[sflag:s5] =	ssyncpa.u1 $0x0;
	p1 =	sne.s32 s7, s9;
	s9 =	simm.s32 $0x1  }
0x18: {  	(ifvalue) =	ssetifvalue $0x7800;
	[sflag:s6] =	ssyncpa.u1 $0x0;
	s9 =	simm.s32 @!p1 $0x0  }
0x19: {  	vm0 =	vmmov $0xffff;
	s7 =	sadd.s32 $0x10800, s2;
	s8 =	sadd.s32 s8, s9;
	s9 =	simm.s32 $0x0  }
.LBB2_5:
0x1a: {  	p2 =	sne.s32 s11, s8  }
.Ltmp1:
0x1b: {  	_ = 	snop;
	(pc) =	sbr.rel @!p2 .LBB2_6-.Ltmp1, $4  }
0x1c: {  	_ = 	snop  }
0x1d: {  	s12 =	sadd.s32 $0x190, s10  }
0x1e: {  	s10 =	smov.u32 s3;
	s13 =	sadd.s32 $0x1, s11;
	p1 =	slt.s32 s12, s4  }
0x1f: {  	s11 =	smov.u32 s13;
	s10 =	smov.u32 @p1 s12  }
.LBB2_1:
0x20: {  	p1 =	sge.u32 s11, s8  }
0x21: {  	s12 =	sxor.u32 @!p1 $0xFFFFFFFF, s11  }
0x22: {  	s12 =	sand.u32 @!p1 $0x1, s12  }
0x23: {  	s12 =	smul.u32 @!p1 $0x190, s12  }
0x24: {  	s13 =	sshrl.u32 @!p1 s10, $0x3  }
0x25: {  	s16 =	sand.u32 @!p1 $0x7, s10;
	s14 =	sadd.s32 @!p1 s7, s13;
	s15 =	sadd.s32 @!p1 $0x780, s12  }
0x26: {  	[tilespmem:s15], [sflag:$0x2] =	stream.linear.gather @!p1 [hbm4b:s14+s16], $0x190, $0x38;
	[tilespmem:$0xDC0] =	vst v63  }
0x27: {  	s13 =	sadd.s32 @!p1 s2, s13;
	s12 =	sadd.s32 @!p1 $0xAA0, s12  }
0x28: {  	[tilespmem:s12], [sflag:$0x2] =	stream.linear.gather @!p1 [hbm4b:s13+s16], $0x190, $0x38;
	[tilespmem:$0xDC0] =	vst v63  }
0x29: {  	p1 =	seq.s32 s11, $0x0  }
.Ltmp2:
0x2a: {  	_ = 	snop;
	(pc) =	sbr.rel @p1 .LBB2_5-.Ltmp2, $1  }
0x2b: {  	_ =	sdelay $0x3  }
0x2c: {  	s12 =	sand.u32 $0x1, s11  }
0x2d: {  	_ =	swait.ge [sflag:s6], $0x320;
	p1 =	seq.s32 s12, $0x1;
	s12 =	simm.s32 $0x190  }
0x2e: {  	[sflag:s6] =	ssyncset.done $0x0;
	s12 =	simm.s32 @!p1 $0x0  }
0x2f: {  	[sflag:s6] =	ssyncadd.s32 $0xFFFFFCE0;
	s14 =	sadd.s32 $0x780, s12  }
0x30: {  	v0 =	vld.msk [tilespmem:s14+$0x0 ss:$0x1], $0xffff;
	_ =	sdelay $0x4  }
0x31: {  	v0 =	vmin.u32 v0, $0x7800;
	_ =	sdelay $0x3  }
0x32: {  	s13 =	simm.s32 $0x0;
	s12 =	sadd.s32 $0xAA0, s12;
	s14 =	sadd.s32 $0x10, s14  }
0x33: {  	[spmem:s9] =	stream.indirect_vreg.scatter.add.s32 [tilespmem:s12], [sflag:$0x1], $0x1, v0, vm0, $0x4038;
	[tilespmem:$0xDC0] =	vst v63  }
.LBB2_3:
0x34: {  	v0 =	vld.msk [tilespmem:s14+$0x0 ss:$0x1], $0xffff;
	s13 =	sadd.s32 $0x10, s13  }
0x35: {  	p1 =	slt.u32 s13, $0x180;
	_ =	sdelay $0x4  }
0x36: {  	v0 =	vmin.u32 v0, $0x7800  }
.Ltmp3:
0x37: {  	(pc) =	sbr.rel @p1 .LBB2_3-.Ltmp3, $3  }
0x38: {  	_ =	sdelay $0x1  }
0x39: {  	s14 =	sadd.s32 $0x10, s14;
	s12 =	sadd.s32 $0x10, s12  }
0x3a: {  	[spmem:s9] =	stream.indirect_vreg.scatter.add.s32 [tilespmem:s12], [sflag:$0x1], $0x1, v0, vm0, $0x4038;
	[tilespmem:$0xDC0] =	vst v63  }
.Ltmp4:
0x3b: {  	(pc) =	sbr.rel .LBB2_5-.Ltmp4, $4  }
0x3c: {  	_ = 	snop  }
0x3d: {  	_ =	swait.ge [sflag:s5], $0x190  }
0x3e: {  	[sflag:s5] =	ssyncset.done $0x0  }
0x3f: {  	[sflag:s5] =	ssyncadd.s32 $0xFFFFFE70  }
.LBB2_6:
0x40: {  	_ =	sfence.sel $0x180000  }
0x41: {  	s2 =	simm.s32 $0x2;
	[bflag:$0x0] =	sbarrier.arrive $0xFFFF  }
0x42: {  	s30 =	simm.s32 $0x1;
	[sflag:s2] =	ssyncpa.u1 $0x1  }
0x43: {  	[sflag:s30] =	ssyncpa.u1 $0x1  }
0x44: {  	_ =	sfence.stream.spmem  }
0x45: {  	s31 =	simm.s32 $0x3D;
	[bflag:$0x0] =	sbarrier.arrive $0xFFFF  }
0x46: {  	s2 =	simm.s32 @p0 $0x3D;
	[sflag:s31] =	ssyncpa.u1 $0x0  }
0x47: {  	[sflag:s2] =	ssyncpa.u1 @p0 $0x1  }
0x48: {  	[bflag:$0x0] =	sbarrier.arrive @p0 $0xFFFF  }
0x49: {  	_ =	strace @p0 $0x90000056  }
0x4a: {  	s3 =	simm.s32 @!p0 $0x1C3D;
	s2 =	simm.s32 @!p0 $0x0;
	[bflag:$0x2] =	sbarrier.arrive @p0 $0xFFFF  }
0x4b: {  	[hbm:s1], [sflag:s3] =	dma.local @!p0 [spmem:s2], $0xF00  }
0x4c: {  	s1 =	simm.s32 @!p0 $0x3D  }
0x4d: {  	_ =	swait.ge @!p0 [sflag:s1], $0xF00  }
0x4e: {  	[sflag:s1] =	ssyncset.done @!p0 $0x0  }
0x4f: {  	[sflag:s1] =	ssyncadd.s32 @!p0 $0xFFFFF100  }
0x50: {  	[sflag:s1] =	ssyncpa.u1 @!p0 $0x1  }
0x51: {  	[bflag:$0x0] =	sbarrier.arrive @!p0 $0xFFFF  }
0x52: {  	_ =	strace @!p0 $0x90000056  }
0x53: {  	s0 =	sadd.s32 @!p0 $0x100000, s0;
	[bflag:$0x2] =	sbarrier.arrive @!p0 $0xFFFF  }
0x54: {  	[sflag:s0] =	ssyncadd.tile.s32 @!p0 $0x1;
	_ =	shalt  }
.Lfunc_end2:
_tile_overlayer_lowered:
.L_overlay_start_2:
0x55: {  	(tag) =	ssettag $0x2  }
0x56: {  	s0 =	rddreg [dreg:$0x0];
	s2 =	stileid.u32  }
0x57: {  	s1 =	rddreg [dreg:$0x1];
	p0 =	sne.s32 s2, $0x0  }
0x58: {  	s3 =	rddreg [dreg:$0x2];
	[bflag:$0x3] =	sbarrier.arrive $0xFFFF;
	s2 =	simm.s32 @!p0 $0x1C01  }
0x59: {  	[timem:s3], [sflag:s2] =	dma.local @!p0 [hbm:s0], s1  }
0x5a: {  	s0 =	simm.s32 @!p0 $0x1  }
0x5b: {  	_ =	swait.ge @!p0 [sflag:s0], s1  }
0x5c: {  	s1 =	ssub.s32 @!p0 $0x0, s1;
	[sflag:s0] =	ssyncset.done @!p0 $0x0  }
0x5d: {  	[sflag:s0] =	ssyncadd.s32 @!p0 s1  }
0x5e: {  	[bflag:$0x3] =	sbarrier.arrive $0xFFFF  }
0x5f: {  	_ =	shalt  }

// kernel: scatter_offload_async_start
scs
__scs_entry_jumppad:
0x0: {  	(pc) =	sbr.rel $0x88, $3  }
0x1: {  	(tag) =	ssettag $0x0;
	lr =	simm.s32 $0x1  }
0x2: {  	[smem:$0x3F9F] =	sst lr;
	_ =	strace $0xD0000000  }
0x3: {  	_ = 	snop  }
0x4: {  	_ = 	snop  }
0x5: {  	_ = 	snop  }
0x6: {  	_ = 	snop  }
0x7: {  	_ = 	snop  }
__scs_overlays_trampoline_lowered:
0x8: {  	[smem:$0x3FAE] =	sst s0  }
0x9: {  	[smem:$0x3FAF] =	sst s1  }
0xa: {  	[smem:$0x3FB0] =	sst s2  }
0xb: {  	[smem:$0x3FB1] =	sst s3  }
0xc: {  	[smem:$0x3FB2] =	sst s4  }
0xd: {  	[smem:$0x3FB3] =	sst s5  }
0xe: {  	[smem:$0x3FB4] =	sst s6  }
0xf: {  	[smem:$0x3FB5] =	sst s7  }
0x10: {  	[smem:$0x3FB6] =	sst s8  }
0x11: {  	[smem:$0x3FB7] =	sst s9;
	s0 =	simm.s32 @!p0 $0x0  }
0x12: {  	s1 =	sld [smem:$0x3F9D];
	s0 =	simm.s32 @p0 $0x1  }
0x13: {  	[smem:$0x3FB8] =	sst s0;
	s0 =	simm.s32 @!p1 $0x0  }
0x14: {  	s2 =	sld [smem:$0x3F9C];
	s0 =	simm.s32 @p1 $0x1  }
0x15: {  	[smem:$0x3FB9] =	sst s0;
	s0 =	simm.s32 @!p2 $0x0  }
0x16: {  	s3 =	sld [smem:$0x3FDB];
	s0 =	simm.s32 @p2 $0x1  }
0x17: {  	s4 =	simm.s32 $0x1BF5;
	[smem:$0x3FBB] =	sst s0  }
0x18: {  	s0 =	sld [smem:$0x3F9E];
	_ =	swait.ge [sflag:s4], $0x0  }
0x19: {  	s7 =	sld [smem:$0x3F9F]  }
0x1a: {  	s8 =	sadd.s32 $0xFFFFE003, lr  }
0x1b: {  	s9 =	sadd.s32 $0xFFFFFEF7, lr;
	s5 =	simm.s32 $0xFFFFFFFF;
	p2 =	slt.u32 s8, $0xFFFFF086  }
0x1c: {  	p1 =	slt.u32 s9, $0xF7A;
	s5 =	simm.s32 @!p2 $0x0  }
0x1d: {  	s5 =	simm.s32 @p1 $0x1;
	p0 =	seq.s32 s7, s2  }
0x1e: {  	s7 =	smul.u32 @!p0 $0xF7A, s2;
	p2 =	seq.s32 @!p0 s5, $0x0  }
0x1f: {  	s9 =	smul.u32 $0xF7A, s1;
	s8 =	simm.s32 @!p0 $0x1BF5;
	p2 =	por !p2, p0  }
0x20: {  	[sflag:s8] =	ssyncset.s32 @!p0 $0xFFFFF086;
	s6 =	sadd.s32 @!p0 s3, s7;
	s7 =	simm.s32 @!p0 $0x108  }
0x21: {  	s3 =	sadd.s32 s3, s9;
	s6 =	sadd.s32 @!p0 $0x88, s6;
	s7 =	simm.s32 @p2 $0x1082  }
0x22: {  	[simem:s7], [sflag:s8] =	dma.local @!p0 [hbm:s6], $0xF7A  }
0x23: {  	s9 =	sor.u32 $0xD0000000, s2;
	s6 =	simm.s32 $0x108;
	_ =	swait.ge @!p0 [sflag:s8], $0x0  }
0x24: {  	s3 =	sadd.s32 $0x88, s3;
	s6 =	simm.s32 @!p1 $0x1082;
	[sflag:s4] =	ssyncset.s32 $0xFFFFF086  }
0x25: {  	[simem:s6], [sflag:s4] =	dma.local [hbm:s3], $0xF7A  }
0x26: {  	[smem:$0x3F9F] =	sst s1;
	(tag) =	ssettag s2;
	_ =	strace s9  }
0x27: {  	s1 =	sld [smem:$0x3FAF]  }
0x28: {  	s2 =	sld [smem:$0x3FB0]  }
0x29: {  	s4 =	sld [smem:$0x3FB2]  }
0x2a: {  	p0 =	seq.s32 s5, $0x0;
	s5 =	sld [smem:$0x3FB3]  }
0x2b: {  	s6 =	sld [smem:$0x3FB4]  }
0x2c: {  	s7 =	sld [smem:$0x3FB5]  }
0x2d: {  	s3 =	simm.s32 $0x108;
	s8 =	sld [smem:$0x3FB6]  }
0x2e: {  	s3 =	simm.s32 @!p0 $0x1082;
	s9 =	sld [smem:$0x3FB7]  }
0x2f: {  	lr =	sadd.s32 s0, s3;
	s0 =	sld [smem:$0x3FAE]  }
0x30: {  	s3 =	sld [smem:$0x3FB1]  }
0x31: {  	[smem:$0x3FBA] =	sst s10  }
0x32: {  	s10 =	sld [smem:$0x3FB8];
	_ =	sdelay $0x3  }
0x33: {  	p0 =	seq.s32 s10, $0x1;
	s10 =	sld [smem:$0x3FBA];
	_ =	sdelay $0x3  }
0x34: {  	[smem:$0x3FBA] =	sst s10  }
0x35: {  	s10 =	sld [smem:$0x3FB9];
	_ =	sdelay $0x3  }
0x36: {  	p1 =	seq.s32 s10, $0x1;
	s10 =	sld [smem:$0x3FBA];
	_ =	sdelay $0x3  }
0x37: {  	[smem:$0x3FBA] =	sst s10  }
0x38: {  	s10 =	sld [smem:$0x3FBB]  }
0x39: {  	_ = 	snop;
	(pc) =	sbr.ind lr, $3  }
0x3a: {  	_ = 	snop  }
0x3b: {  	_ = 	snop  }
0x3c: {  	p2 =	seq.s32 s10, $0x1;
	s10 =	sld [smem:$0x3FBA]  }
0x3d: {  	_ =	shalt  }
0x3e: {  	_ =	shalt  }
0x3f: {  	_ =	shalt  }
0x40: {  	_ =	shalt  }
0x41: {  	_ =	shalt  }
0x42: {  	_ =	shalt  }
0x43: {  	_ =	shalt  }
0x44: {  	_ =	shalt  }
0x45: {  	_ =	shalt  }
0x46: {  	_ =	shalt  }
0x47: {  	_ =	shalt  }
0x48: {  	_ =	shalt  }
0x49: {  	_ =	shalt  }
0x4a: {  	_ =	shalt  }
0x4b: {  	_ =	shalt  }
0x4c: {  	_ =	shalt  }
0x4d: {  	_ =	shalt  }
0x4e: {  	_ =	shalt  }
0x4f: {  	_ =	shalt  }
0x50: {  	_ =	shalt  }
0x51: {  	_ =	shalt  }
0x52: {  	_ =	shalt  }
0x53: {  	_ =	shalt  }
0x54: {  	_ =	shalt  }
0x55: {  	_ =	shalt  }
0x56: {  	_ =	shalt  }
0x57: {  	_ =	shalt  }
0x58: {  	_ =	shalt  }
0x59: {  	_ =	shalt  }
0x5a: {  	_ =	shalt  }
0x5b: {  	_ =	shalt  }
0x5c: {  	_ =	shalt  }
0x5d: {  	_ =	shalt  }
0x5e: {  	_ =	shalt  }
0x5f: {  	_ =	shalt  }
0x60: {  	_ =	shalt  }
0x61: {  	_ =	shalt  }
0x62: {  	_ =	shalt  }
0x63: {  	_ =	shalt  }
0x64: {  	_ =	shalt  }
0x65: {  	_ =	shalt  }
0x66: {  	_ =	shalt  }
0x67: {  	_ =	shalt  }
0x68: {  	_ =	shalt  }
0x69: {  	_ =	shalt  }
0x6a: {  	_ =	shalt  }
0x6b: {  	_ =	shalt  }
0x6c: {  	_ =	shalt  }
0x6d: {  	_ =	shalt  }
0x6e: {  	_ =	shalt  }
0x6f: {  	_ =	shalt  }
0x70: {  	_ =	shalt  }
0x71: {  	_ =	shalt  }
0x72: {  	_ =	shalt  }
0x73: {  	_ =	shalt  }
0x74: {  	_ =	shalt  }
0x75: {  	_ =	shalt  }
0x76: {  	_ =	shalt  }
0x77: {  	_ =	shalt  }
0x78: {  	_ =	shalt  }
0x79: {  	_ =	shalt  }
0x7a: {  	_ =	shalt  }
0x7b: {  	_ =	shalt  }
0x7c: {  	_ =	shalt  }
0x7d: {  	_ =	shalt  }
0x7e: {  	_ =	shalt  }
0x7f: {  	_ =	shalt  }
0x80: {  	_ =	shalt  }
0x81: {  	_ =	shalt  }
0x82: {  	_ =	shalt  }
0x83: {  	_ =	shalt  }
0x84: {  	_ =	shalt  }
0x85: {  	_ =	shalt  }
0x86: {  	_ =	shalt  }
0x87: {  	_ =	shalt  }
.Lfunc_end0:
.L_simem_size_0:
called_computation_lowered:
.L_overlay_start_0:
0x88: {  	s0 =	sld [smem:$0x3FD9]  }
0x89: {  	s1 =	sld [smem:$0x3FFE];
	_ =	sdelay $0x3  }
0x8a: {  	s0 =	sadd.s32 s1, s0  }
0x8b: {  	[smem:$0x3FC6] =	sst s0  }
0x8c: {  	_ = 	snop  }
0x8d: {  	s0 =	sld [smem:$0x3FD0];
	(tm) =	ssettm $0x1  }
0x8e: {  	s16 =	sld [smem:$0x3FFB];
	_ =	sdelay $0x3  }
0x8f: {  	_ =	strace s16  }
0x90: {  	s1 =	sld [smem:$0x3FFC];
	_ =	sdelay $0x3  }
0x91: {  	_ =	strace s1  }
0x92: {  	s1 =	sld [smem:$0x3FFD];
	_ =	sdelay $0x3  }
0x93: {  	_ =	strace s1  }
0x94: {  	_ =	strace $0x8FFFFFFF  }
0x95: {  	s17 =	sld [smem:$0x3FDB];
	_ =	sdelay $0x1  }
0x96: {  	s2 =	simm.s32 $_scs_section_size  }
0x97: {  	s3 =	simm.s32 $_size__tile_overlayer_lowered;
	s4 =	simm.s32 $_tile_overlayer_lowered  }
0x98: {  	s20 =	simm.s32 $0x1BFF;
	s19 =	sshll.u32 s4, $0x1;
	s1 =	sadd.s32 s2, s17  }
0x99: {  	s5 =	simm.s32 $0x0;
	s18 =	sshll.u32 s3, $0x1;
	s3 =	sadd.s32 s19, s1  }
0x9a: {  	[timem:s5], [sflag:s20] =	dma.local [hbm:s3], s18  }
0x9b: {  	_ =	swait.ge [sflag:s20], s18  }
0x9c: {  	s2 =	ssub.s32 $0x0, s18;
	[sflag:s20] =	ssyncset.done $0x0  }
0x9d: {  	[sflag:s20] =	ssyncadd.s32 s2;
	_ =	sdelay $0x1  }
0x9e: {  	s21 =	simm.s32 $0x1B8B  }
0x9f: {  	_ =	swait.ge [sflag:s21], $0x1  }
0xa0: {  	[sflag:s21] =	ssyncset.done $0x0  }
0xa1: {  	s23 =	simm.s32 $0x1B8E;
	s22 =	sld [smem:$0x3FFE];
	[sflag:s21] =	ssyncadd.s32 $0xFFFFFFFF  }
0xa2: {  	s24 =	simm.s32 $execute0_lowered;
	[smem:$0x3FD2] =	sst s23  }
0xa3: {  	s3 =	sshll.u32 s24, $0x1;
	_ =	strace $0x80000046;
	[dreg:$0x1] =	wrdreg $0xFFFFFFFF  }
0xa4: {  	s25 =	simm.s32 $_size_execute0_lowered;
	s1 =	sadd.s32 s1, s3;
	[dreg:$0x0] =	wrdreg $0x0  }
0xa5: {  	s3 =	sshll.u32 s25, $0x1;
	[dreg:$0x2] =	wrdreg s1  }
0xa6: {  	[dreg:$0x3] =	wrdreg s3  }
0xa7: {  	[dreg:$0x4] =	wrdreg $0xC0  }
0xa8: {  	_ =	task [dreg:s5], $0x5FFFF  }
0xa9: {  	[dreg:$0x1] =	wrdreg $0xFFFFFFFF  }
0xaa: {  	[dreg:$0x0] =	wrdreg $0x60  }
0xab: {  	[dreg:$0x2] =	wrdreg s22  }
0xac: {  	[dreg:$0x3] =	wrdreg s0  }
0xad: {  	[dreg:$0x4] =	wrdreg $0x9  }
0xae: {  	_ =	task.clear_ibuf [dreg:s5], $0x5FFFF;
	_ =	strace $0x90000046  }
0xaf: {  	s26 =	simm.s32 $0x9;
	_ =	strace $0x80000048  }
0xb0: {  	_ =	swait.ge [sflag:s26], $0x1  }
0xb1: {  	[sflag:s26] =	ssyncadd.s32 $0xFFFFFFFF  }
0xb2: {  	_ =	strace $0x90000048  }
0xb3: {  	_ =	sfence  }
0xb4: {  	s28 =	sld [smem:$0x0];
	_ =	sdelay $0x1  }
0xb5: {  	s29 =	srdreg.scid  }
0xb6: {  	s30 =	sshll.u32 s29, $0xD;
	s31 =	sshrl.u32 s29, $0x2  }
0xb7: {  	s2 =	sand.u32 $0x4000, s30;
	s1 =	sand.u32 $0x1, s29;
	s0 =	sadd.s32 s31, s28  }
0xb8: {  	s1 =	sor.u32 s2, s1;
	s0 =	sshll.u32 s0, $0x11  }
0xb9: {  	s0 =	sor.u32 s0, s1  }
0xba: {  	s0 =	sadd.s32 $0x8F2B, s0  }
0xbb: {  	[sflag:s0] =	ssyncadd.remote.s32 $0x1  }
0xbc: {  	_ =	sfence.sel $0xFFFF  }
0xbd: {  	[dreg:$0x0] =	wrdreg $0xFFFFFFFF;
	(pc) =	sbr.abs _section_cstart, $3  }
0xbe: {  	[dreg:$0x1] =	wrdreg $0xFFFFFFFF  }
0xbf: {  	_ =	task.clear_ibuf [dreg:s5], $0x2FFFF;
	_ =	strace $0x9FFFFFFF  }
0xc0: {  	(tm) =	ssettm $0x7FFFFFFF  }
0xc1: {  	_ =	shalt  }
tec
execute0_lowered:
.L_overlay_start_1:
0x0: {  	(tag) =	ssettag $0x1  }
0x1: {  	s7 =	rddreg [dreg:$0x0]  }
0x2: {  	s2 =	rddreg [dreg:$0x1]  }
0x3: {  	s0 =	rddreg [dreg:$0x2]  }
0x4: {  	_ =	strace $0x80000047;
	s4 =	stileid.u32;
	s5 =	simm.s32 $0x3E  }
0x5: {  	s1 =	sadd.s32 $0x10200, s7;
	p0 =	sne.s32 s4, $0x0;
	[sflag:s5] =	ssyncpa.u1 $0x0  }
0x6: {  	s30 =	smin.u32 s4, $0x9;
	s3 =	simm.s32 @!p0 $0x1C3E;
	s6 =	simm.s32 @!p0 $0x0  }
0x7: {  	[spmem:s6], [sflag:s3] =	dma.local @!p0 [hbm:s1], $0x500  }
0x8: {  	s3 =	sadd.s32 s4, s30  }
0x9: {  	p1 =	slt.u32 s4, $0x9;
	s4 =	simm.s32 $0x3520;
	s3 =	smul.u32 $0x1A90, s3  }
0xa: {  	s4 =	simm.s32 @!p1 $0x1A90  }
0xb: {  	s4 =	sadd.s32 s4, s3  }
0xc: {  	s4 =	smin.u32 s4, $0x29810  }
0xd: {  	s8 =	ssub.s32 s4, s3  }
0xe: {  	p1 =	sgt.s32 s8, $0x0  }
0xf: {  	s8 =	simm.s32 @!p1 $0x0  }
0x10: {  	s6 =	simm.s32 @!p0 $0x3E;
	s31 =	smulhi.u32 $0x134679AD, s8  }
0x11: {  	_ =	swait.ge @!p0 [sflag:s6], $0x500  }
0x12: {  	[sflag:s6] =	ssyncset.done @!p0 $0x0;
	s9 =	sshrl.u32 s31, $0x9  }
0x13: {  	s11 =	simm.s32 $0x0;
	[sflag:s6] =	ssyncadd.s32 @!p0 $0xFFFFFB00;
	s10 =	smul.u32 $0x1A90, s9  }
.Ltmp0:
0x14: {  	s7 =	sadd.s32 $0x10800, s7;
	[bflag:$0x0] =	sbarrier.arrive $0xFFFF;
	(pc) =	sbr.rel .LBB2_1-.Ltmp0, $4  }
0x15: {  	s6 =	simm.s32 $0x2;
	[sflag:s5] =	ssyncpa.u1 $0x1;
	s5 =	simm.s32 $0x1  }
0x16: {  	[sflag:s5] =	ssyncpa.u1 $0x0;
	p1 =	sne.s32 s8, s10;
	s8 =	simm.s32 $0x1  }
0x17: {  	(ifvalue) =	ssetifvalue $0x2800;
	[sflag:s6] =	ssyncpa.u1 $0x0;
	s8 =	simm.s32 @!p1 $0x0  }
0x18: {  	vm0 =	vmmov $0xffff;
	s10 =	smov.u32 s3;
	s8 =	sadd.s32 s8, s9;
	s9 =	simm.s32 $0x0  }
.LBB2_5:
0x19: {  	p2 =	sne.s32 s11, s8  }
.Ltmp1:
0x1a: {  	_ = 	snop;
	(pc) =	sbr.rel @!p2 .LBB2_6-.Ltmp1, $4  }
0x1b: {  	_ = 	snop  }
0x1c: {  	s12 =	sadd.s32 $0x1A90, s10  }
0x1d: {  	s10 =	smov.u32 s3;
	s13 =	sadd.s32 $0x1, s11;
	p1 =	slt.s32 s12, s4  }
0x1e: {  	s11 =	smov.u32 s13;
	s10 =	smov.u32 @p1 s12  }
.LBB2_1:
0x1f: {  	p1 =	sge.u32 s11, s8  }
0x20: {  	s12 =	sxor.u32 @!p1 $0xFFFFFFFF, s11  }
0x21: {  	s12 =	sand.u32 @!p1 $0x1, s12  }
0x22: {  	s12 =	smul.u32 @!p1 $0x1A90, s12  }
0x23: {  	s13 =	sshrl.u32 @!p1 s10, $0x3  }
0x24: {  	s16 =	sand.u32 @!p1 $0x7, s10;
	s14 =	sadd.s32 @!p1 s2, s13;
	s15 =	sadd.s32 @!p1 $0x280, s12  }
0x25: {  	[tilespmem:s15], [sflag:$0x2] =	stream.linear.gather @!p1 [hbm4b:s14+s16], $0x1A90, $0x38;
	[tilespmem:$0x6CC0] =	vst v63  }
0x26: {  	s13 =	sadd.s32 @!p1 s7, s13;
	s12 =	sadd.s32 @!p1 $0x37A0, s12  }
0x27: {  	[tilespmem:s12], [sflag:$0x2] =	stream.linear.gather @!p1 [hbm4b:s13+s16], $0x1A90, $0x38;
	[tilespmem:$0x6CC0] =	vst v63  }
0x28: {  	p1 =	seq.s32 s11, $0x0  }
.Ltmp2:
0x29: {  	_ = 	snop;
	(pc) =	sbr.rel @p1 .LBB2_5-.Ltmp2, $1  }
0x2a: {  	_ =	sdelay $0x3  }
0x2b: {  	s12 =	sand.u32 $0x1, s11  }
0x2c: {  	_ =	swait.ge [sflag:s6], $0x3520;
	p1 =	seq.s32 s12, $0x1;
	s12 =	simm.s32 $0x1A90  }
0x2d: {  	[sflag:s6] =	ssyncset.done $0x0;
	s12 =	simm.s32 @!p1 $0x0  }
0x2e: {  	[sflag:s6] =	ssyncadd.s32 $0xFFFFCAE0;
	s14 =	sadd.s32 $0x280, s12  }
0x2f: {  	v0 =	vld.msk [tilespmem:s14+$0x0 ss:$0x1], $0xffff;
	_ =	sdelay $0x4  }
0x30: {  	v0 =	vmin.u32 v0, $0x2800;
	_ =	sdelay $0x3  }
0x31: {  	s13 =	simm.s32 $0x0;
	s12 =	sadd.s32 $0x37A0, s12;
	s14 =	sadd.s32 $0x10, s14  }
0x32: {  	[spmem:s9] =	stream.indirect_vreg.scatter.add.s32 [tilespmem:s12], [sflag:$0x1], $0x1, v0, vm0, $0x4038;
	[tilespmem:$0x6CC0] =	vst v63  }
.LBB2_3:
0x33: {  	v0 =	vld.msk [tilespmem:s14+$0x0 ss:$0x1], $0xffff;
	s13 =	sadd.s32 $0x10, s13  }
0x34: {  	p1 =	slt.u32 s13, $0x1A80;
	_ =	sdelay $0x4  }
0x35: {  	v0 =	vmin.u32 v0, $0x2800  }
.Ltmp3:
0x36: {  	(pc) =	sbr.rel @p1 .LBB2_3-.Ltmp3, $3  }
0x37: {  	_ =	sdelay $0x1  }
0x38: {  	s14 =	sadd.s32 $0x10, s14;
	s12 =	sadd.s32 $0x10, s12  }
0x39: {  	[spmem:s9] =	stream.indirect_vreg.scatter.add.s32 [tilespmem:s12], [sflag:$0x1], $0x1, v0, vm0, $0x4038;
	[tilespmem:$0x6CC0] =	vst v63  }
.Ltmp4:
0x3a: {  	(pc) =	sbr.rel .LBB2_5-.Ltmp4, $4  }
0x3b: {  	_ = 	snop  }
0x3c: {  	_ =	swait.ge [sflag:s5], $0x1A90  }
0x3d: {  	[sflag:s5] =	ssyncset.done $0x0  }
0x3e: {  	[sflag:s5] =	ssyncadd.s32 $0xFFFFE570  }
.LBB2_6:
0x3f: {  	_ =	sfence.sel $0x180000  }
0x40: {  	s2 =	simm.s32 $0x2;
	[bflag:$0x0] =	sbarrier.arrive $0xFFFF  }
0x41: {  	s30 =	simm.s32 $0x1;
	[sflag:s2] =	ssyncpa.u1 $0x1  }
0x42: {  	[sflag:s30] =	ssyncpa.u1 $0x1  }
0x43: {  	_ =	sfence.stream.spmem  }
0x44: {  	s31 =	simm.s32 $0x3D;
	[bflag:$0x0] =	sbarrier.arrive $0xFFFF  }
0x45: {  	s2 =	simm.s32 @p0 $0x3D;
	[sflag:s31] =	ssyncpa.u1 $0x0  }
0x46: {  	[sflag:s2] =	ssyncpa.u1 @p0 $0x1  }
0x47: {  	[bflag:$0x0] =	sbarrier.arrive @p0 $0xFFFF  }
0x48: {  	_ =	strace @p0 $0x90000047  }
0x49: {  	s3 =	simm.s32 @!p0 $0x1C3D;
	s2 =	simm.s32 @!p0 $0x0;
	[bflag:$0x2] =	sbarrier.arrive @p0 $0xFFFF  }
0x4a: {  	[hbm:s1], [sflag:s3] =	dma.local @!p0 [spmem:s2], $0x500  }
0x4b: {  	s1 =	simm.s32 @!p0 $0x3D  }
0x4c: {  	_ =	swait.ge @!p0 [sflag:s1], $0x500  }
0x4d: {  	[sflag:s1] =	ssyncset.done @!p0 $0x0  }
0x4e: {  	[sflag:s1] =	ssyncadd.s32 @!p0 $0xFFFFFB00  }
0x4f: {  	[sflag:s1] =	ssyncpa.u1 @!p0 $0x1  }
0x50: {  	[bflag:$0x0] =	sbarrier.arrive @!p0 $0xFFFF  }
0x51: {  	_ =	strace @!p0 $0x90000047  }
0x52: {  	s0 =	sadd.s32 @!p0 $0x100000, s0;
	[bflag:$0x2] =	sbarrier.arrive @!p0 $0xFFFF  }
0x53: {  	[sflag:s0] =	ssyncadd.tile.s32 @!p0 $0x1;
	_ =	shalt  }
.Lfunc_end2:
_tile_overlayer_lowered:
.L_overlay_start_2:
0x54: {  	(tag) =	ssettag $0x2  }
0x55: {  	s0 =	rddreg [dreg:$0x0];
	s2 =	stileid.u32  }
0x56: {  	s1 =	rddreg [dreg:$0x1];
	p0 =	sne.s32 s2, $0x0  }
0x57: {  	s3 =	rddreg [dreg:$0x2];
	[bflag:$0x3] =	sbarrier.arrive $0xFFFF;
	s2 =	simm.s32 @!p0 $0x1C01  }
0x58: {  	[timem:s3], [sflag:s2] =	dma.local @!p0 [hbm:s0], s1  }
0x59: {  	s0 =	simm.s32 @!p0 $0x1  }
0x5a: {  	_ =	swait.ge @!p0 [sflag:s0], s1  }
0x5b: {  	s1 =	ssub.s32 @!p0 $0x0, s1;
	[sflag:s0] =	ssyncset.done @!p0 $0x0  }
0x5c: {  	[sflag:s0] =	ssyncadd.s32 @!p0 s1  }
0x5d: {  	[bflag:$0x3] =	sbarrier.arrive $0xFFFF  }
0x5e: {  	_ =	shalt  }

</sc_bundles>
